<compile_context>
chip_gen: v7x
topology: tpu7x:2x2x1
jax: 0.10.2.dev20260603
libtpu: 0.0.44.dev20260713+nightly
codegen_flags: <defaults>
</compile_context>

<pallas_src>
import functools

import jax
import jax.numpy as jnp
from jax import lax
from jax.experimental import pallas as pl
from jax.experimental.pallas import tpu as pltpu
from jax.experimental.pallas import tpu_sc as plsc

N = 10000
E = 320000
D = 128
B = 8
H = 64

NP = 10240
EP = 327680
NC = 2
NS = 16
NW = NC * NS
ET = EP // NW
GROUP = 128
NG = ET // GROUP
ROWS_PER_TILE = NP // NS
BLK = 256
NBLK = NP // BLK

_HIGH = None



def _proj_body(x_ref, wl_ref, wr_ref, xl_ref, xr_ref):
    xb = x_ref[...]
    xlf = jnp.dot(xb, wl_ref[...], preferred_element_type=jnp.float32,
                  precision=_HIGH)
    xbf = xlf.astype(jnp.bfloat16)
    hi = lax.bitcast_convert_type(xbf[:, :32], jnp.uint16).astype(jnp.uint32)
    lo = lax.bitcast_convert_type(xbf[:, 32:], jnp.uint16).astype(jnp.uint32)
    xl_ref[...] = lax.bitcast_convert_type((hi << 16) | lo, jnp.int32)
    xr_ref[...] = jnp.dot(xb, wr_ref[...], preferred_element_type=jnp.float32,
                          precision=_HIGH)


def _project(x_pad, W_l, W_r):
    return pl.pallas_call(
        _proj_body,
        grid=(NBLK,),
        in_specs=[
            pl.BlockSpec((BLK, D), lambda i: (i, 0)),
            pl.BlockSpec((D, H), lambda i: (0, 0)),
            pl.BlockSpec((D, H), lambda i: (0, 0)),
        ],
        out_specs=[
            pl.BlockSpec((BLK, 32), lambda i: (i, 0)),
            pl.BlockSpec((BLK, H), lambda i: (i, 0)),
        ],
        out_shape=[
            jax.ShapeDtypeStruct((NP, 32), jnp.int32),
            jax.ShapeDtypeStruct((NP, H), jnp.float32),
        ],
    )(x_pad, W_l, W_r)



NBUF = 4
NSTEP = NG // NBUF


def _sc_body(xl_hbm, src2_hbm, dst2_hbm, zeros_hbm,
             agg_out, deg_out,
             sidx_v, didx_v, rows_v, rowsf_v, hist_v, agg_sh,
             isem0, isem1, isem2, isem3, gsem0, gsem1, gsem2, gsem3):
    isems = (isem0, isem1, isem2, isem3)
    gsems = (gsem0, gsem1, gsem2, gsem3)
    c = lax.axis_index("c")
    s = lax.axis_index("s")
    wid = s * NC + c
    gbase = wid * NG

    with jax.named_scope("sc_zero"):
        pltpu.sync_copy(zeros_hbm.at[pl.ds(s * ROWS_PER_TILE, ROWS_PER_TILE)],
                        agg_sh.at[pl.ds(s * ROWS_PER_TILE, ROWS_PER_TILE)])

        def _zero_hist(i, carry):
            hist_v[pl.ds(i * 16, 16)] = jnp.zeros((16,), jnp.float32)
            return carry
        lax.fori_loop(0, NP // 16, _zero_hist, 0)

    with jax.named_scope("sc_barrier0"):
        plsc.subcore_barrier()

    ones16 = jnp.ones((16,), jnp.float32)

    with jax.named_scope("sc_prime"):
        pltpu.async_copy(src2_hbm.at[pl.ds(gbase, NG)], sidx_v, isems[0])
        pltpu.async_copy(dst2_hbm.at[pl.ds(gbase, NG)], didx_v, isems[1])
        pltpu.make_async_copy(src2_hbm.at[pl.ds(gbase, NG)], sidx_v,
                              isems[0]).wait()
        pltpu.make_async_copy(dst2_hbm.at[pl.ds(gbase, NG)], didx_v,
                              isems[1]).wait()
        for b in range(NBUF):
            pltpu.async_copy(xl_hbm.at[sidx_v.at[b]], rows_v.at[b], gsems[b])

    def _step(k, carry):
        for b in range(NBUF):
            g = k * NBUF + b
            gn = jnp.minimum(g + NBUF, NG - 1)
            pltpu.make_async_copy(xl_hbm.at[sidx_v.at[g]], rows_v.at[b],
                                  gsems[b]).wait()

            for l in range(GROUP // 16):
                idx16 = didx_v[g, pl.ds(l * 16, 16)]
                plsc.addupdate_scatter(hist_v, [idx16], ones16)

            def _unpack_row(r, carry):
                for j in range(2):
                    w = rows_v[b, r, pl.ds(j * 16, 16)]
                    rowsf_v[r, pl.ds(j * 16, 16)] = lax.bitcast_convert_type(
                        w & jnp.int32(-65536), jnp.float32)
                    rowsf_v[r, pl.ds(32 + j * 16, 16)] = (
                        lax.bitcast_convert_type(w << 16, jnp.float32))
                return carry
            lax.fori_loop(0, GROUP, _unpack_row, 0)
            pltpu.sync_copy(rowsf_v, agg_sh.at[didx_v.at[g]], add=True)
            pltpu.async_copy(xl_hbm.at[sidx_v.at[gn]], rows_v.at[b], gsems[b])
        return carry

    with jax.named_scope("sc_main"):
        lax.fori_loop(0, NSTEP, _step, 0)

    with jax.named_scope("sc_drain"):
        for b in range(NBUF):
            pltpu.make_async_copy(xl_hbm.at[sidx_v.at[b]], rows_v.at[b],
                                  gsems[b]).wait()

        pltpu.sync_copy(hist_v, deg_out.at[wid])

    with jax.named_scope("sc_barrier1"):
        plsc.subcore_barrier()

    with jax.named_scope("sc_dump"):
        pltpu.sync_copy(agg_sh.at[pl.ds(s * ROWS_PER_TILE, ROWS_PER_TILE)],
                        agg_out.at[c, pl.ds(s * ROWS_PER_TILE, ROWS_PER_TILE)])


def _edge_aggregate(xl, src2d, dst2d, zeros2d):
    mesh = plsc.VectorSubcoreMesh(core_axis_name="c", subcore_axis_name="s",
                                  num_cores=NC, num_subcores=NS)
    k = pl.kernel(
        _sc_body,
        out_type=(
            jax.ShapeDtypeStruct((NC, NP, H), jnp.float32),
            jax.ShapeDtypeStruct((NW, NP), jnp.float32),
        ),
        mesh=mesh,
        compiler_params=pltpu.CompilerParams(needs_layout_passes=False,
                                             use_tc_tiling_on_sc=False),
        scratch_types=[
            pltpu.VMEM((NG, GROUP), jnp.int32),
            pltpu.VMEM((NG, GROUP), jnp.int32),
            pltpu.VMEM((NBUF, GROUP, 32), jnp.int32),
            pltpu.VMEM((GROUP, H), jnp.float32),
            pltpu.VMEM((NP,), jnp.float32),
            pltpu.VMEM_SHARED((NP, H), jnp.float32),
            pltpu.SemaphoreType.DMA,
            pltpu.SemaphoreType.DMA,
            pltpu.SemaphoreType.DMA,
            pltpu.SemaphoreType.DMA,
            pltpu.SemaphoreType.DMA,
            pltpu.SemaphoreType.DMA,
            pltpu.SemaphoreType.DMA,
            pltpu.SemaphoreType.DMA,
        ],
    )
    return k(xl, src2d, dst2d, zeros2d)



def _post_body(agg_ref, degp_ref, xr_ref, batch_ref, bl_ref,
               pk_ref, ck_ref, wp_ref, bp_ref, wc_ref, bc_ref,
               wh1_ref, bh1_ref, wh2_ref, bh2_ref,
               out_ref, gsum_ref, cnt_ref):
    i = pl.program_id(0)

    @pl.when(i == 0)
    def _():
        gsum_ref[...] = jnp.zeros_like(gsum_ref)
        cnt_ref[...] = jnp.zeros_like(cnt_ref)

    agg = agg_ref[0] + agg_ref[1]
    deg = jnp.sum(degp_ref[...], axis=0)
    degc = jnp.clip(deg, 1.0, None)[:, None]
    h = jnp.maximum(agg / degc + bl_ref[...] + xr_ref[...], 0.0)

    b = batch_ref[0]
    lbl = lax.broadcasted_iota(jnp.int32, (B, BLK), 0)
    maskf = (b == lbl).astype(jnp.float32)
    gsum_ref[...] += jnp.dot(maskf, h, preferred_element_type=jnp.float32,
                             precision=_HIGH)
    cnt_ref[...] += jnp.sum(maskf, axis=1, keepdims=True)

    @pl.when(i == pl.num_programs(0) - 1)
    def _():
        g = gsum_ref[...] / jnp.clip(cnt_ref[...], 1.0, None)
        p = jnp.maximum(jnp.dot(pk_ref[...], wp_ref[...],
                                preferred_element_type=jnp.float32,
                                precision=_HIGH) + bp_ref[...], 0.0)
        cf = jnp.maximum(jnp.dot(ck_ref[...], wc_ref[...],
                                 preferred_element_type=jnp.float32,
                                 precision=_HIGH) + bc_ref[...], 0.0)
        z = jnp.concatenate([g, p, cf], axis=1)
        hid = jnp.maximum(jnp.dot(z, wh1_ref[...],
                                  preferred_element_type=jnp.float32,
                                  precision=_HIGH) + bh1_ref[...], 0.0)
        out_ref[...] = jnp.dot(hid, wh2_ref[...],
                               preferred_element_type=jnp.float32,
                               precision=_HIGH) + bh2_ref[...]


def _postprocess(agg2, degp, xr, batch3, b_l, place_knobs, cts_knobs,
                 W_p, b_p, W_c, b_c, W_h1, b_h1, W_h2, b_h2):
    full = lambda shape: pl.BlockSpec(shape, lambda i: tuple(0 for _ in shape))
    return pl.pallas_call(
        _post_body,
        grid=(NBLK,),
        in_specs=[
            pl.BlockSpec((NC, BLK, H), lambda i: (0, i, 0)),
            pl.BlockSpec((NW, BLK), lambda i: (0, i)),
            pl.BlockSpec((BLK, H), lambda i: (i, 0)),
            pl.BlockSpec((1, 1, BLK), lambda i: (i, 0, 0)),
            full((1, H)),
            full((B, 7)), full((B, 4)),
            full((7, 32)), full((1, 32)),
            full((4, 32)), full((1, 32)),
            full((H + 64, 64)), full((1, 64)),
            full((64, 1)), full((1, 1)),
        ],
        out_specs=pl.BlockSpec((B, 1), lambda i: (0, 0)),
        out_shape=jax.ShapeDtypeStruct((B, 1), jnp.float32),
        scratch_shapes=[
            pltpu.VMEM((B, H), jnp.float32),
            pltpu.VMEM((B, 1), jnp.float32),
        ],
    )(agg2, degp, xr, batch3, b_l, place_knobs, cts_knobs,
      W_p, b_p, W_c, b_c, W_h1, b_h1, W_h2, b_h2)



def kernel(x, edge_index, edge_attr, batch, place_knobs, cts_knobs,
           W_l, b_l, W_r, W_p, b_p, W_c, b_c, W_h1, b_h1, W_h2, b_h2):
    f32 = jnp.float32
    x_pad = jnp.concatenate([x, jnp.zeros((NP - N, D), f32)], axis=0)
    src = edge_index[0]
    dst = edge_index[1]
    src_pad = jnp.concatenate([src, jnp.zeros((EP - E,), jnp.int32)])
    pad_dst = N + (jnp.arange(EP - E, dtype=jnp.int32) % (NP - N))
    dst_pad = jnp.concatenate([dst, pad_dst])
    src2d = src_pad.reshape(NW * NG, GROUP)
    dst2d = dst_pad.reshape(NW * NG, GROUP)
    batch3 = jnp.concatenate([batch, jnp.full((NP - N,), B, jnp.int32)])
    batch3 = batch3.reshape(NBLK, 1, BLK)
    zeros2d = jnp.zeros((NP, H), f32)

    xl, xr = _project(x_pad, W_l, W_r)
    agg2, degp = _edge_aggregate(xl, src2d, dst2d, zeros2d)
    out = _postprocess(agg2, degp, xr, batch3,
                       b_l.reshape(1, H), place_knobs, cts_knobs,
                       W_p, b_p.reshape(1, 32), W_c, b_c.reshape(1, 32),
                       W_h1, b_h1.reshape(1, 64), W_h2, b_h2.reshape(1, 1))
    return out

# --- scband reference (transcript-rebuilt; emitter-appended) ---
"""Pipeline reference for scband-fusion-model-88424786690202 (READ-ONLY COPY).

The authoritative reference and input builder live on the scoring server;
editing this copy changes nothing except your own understanding.
"""

import jax, jax.numpy as jnp
import numpy as np

N = 10000
E = 320000
D = 128
B = 8
H = 64


def setup_inputs(seed: int = 0) -> dict:
    key = jax.random.key(seed)
    ks = jax.random.split(key, 20)
    x = jax.random.normal(ks[0], (N, D), dtype=jnp.float32)
    edge_index = jax.random.randint(ks[1], (2, E), 0, N, dtype=jnp.int32)
    edge_attr = jax.random.normal(ks[2], (E, 1), dtype=jnp.float32)
    batch = jnp.sort(jax.random.randint(ks[3], (N,), 0, B, dtype=jnp.int32))
    place_knobs = jax.random.normal(ks[4], (B, 7), dtype=jnp.float32)
    cts_knobs = jax.random.normal(ks[5], (B, 4), dtype=jnp.float32)
    # SAGEConv params: lin_l (neighbor aggregation, with bias), lin_r (root, no bias)
    W_l = jax.random.normal(ks[6], (D, H), dtype=jnp.float32) * 0.05
    b_l = jnp.zeros((H,), dtype=jnp.float32)
    W_r = jax.random.normal(ks[7], (D, H), dtype=jnp.float32) * 0.05
    # place_mlp Linear(7, 32)
    W_p = jax.random.normal(ks[8], (7, 32), dtype=jnp.float32) * 0.2
    b_p = jnp.zeros((32,), dtype=jnp.float32)
    # cts_mlp Linear(4, 32)
    W_c = jax.random.normal(ks[9], (4, 32), dtype=jnp.float32) * 0.2
    b_c = jnp.zeros((32,), dtype=jnp.float32)
    # head: Linear(128, 64) -> ReLU -> Linear(64, 1)
    W_h1 = jax.random.normal(ks[10], (H + 32 + 32, 64), dtype=jnp.float32) * 0.05
    b_h1 = jnp.zeros((64,), dtype=jnp.float32)
    W_h2 = jax.random.normal(ks[11], (64, 1), dtype=jnp.float32) * 0.05
    b_h2 = jnp.zeros((1,), dtype=jnp.float32)
    return {
        "x": x, "edge_index": edge_index, "edge_attr": edge_attr, "batch": batch,
        "place_knobs": place_knobs, "cts_knobs": cts_knobs,
        "W_l": W_l, "b_l": b_l, "W_r": W_r,
        "W_p": W_p, "b_p": b_p, "W_c": W_c, "b_c": b_c,
        "W_h1": W_h1, "b_h1": b_h1, "W_h2": W_h2, "b_h2": b_h2,
    }


def reference(x, edge_index, edge_attr, batch, place_knobs, cts_knobs,
              W_l, b_l, W_r, W_p, b_p, W_c, b_c, W_h1, b_h1, W_h2, b_h2):
    src = edge_index[0]
    dst = edge_index[1]
    # SAGEConv with mean aggregation: gather source features, scatter-mean to dst
    msgs = jnp.take(x, src, axis=0)
    agg = jax.ops.segment_sum(msgs, dst, num_segments=N)
    deg = jax.ops.segment_sum(jnp.ones((E,), dtype=jnp.float32), dst, num_segments=N)
    mean_agg = agg / jnp.clip(deg, 1.0, None)[:, None]
    out = mean_agg @ W_l + b_l + x @ W_r
    h = jax.nn.relu(out)
    # global_mean_pool over batch assignment
    gsum = jax.ops.segment_sum(h, batch, num_segments=B)
    cnt = jax.ops.segment_sum(jnp.ones((N,), dtype=jnp.float32), batch, num_segments=B)
    g = gsum / jnp.clip(cnt, 1.0, None)[:, None]
    p = jax.nn.relu(place_knobs @ W_p + b_p)
    c = jax.nn.relu(cts_knobs @ W_c + b_c)
    z = jnp.concatenate([g, p, c], axis=1)
    hid = jax.nn.relu(z @ W_h1 + b_h1)
    return hid @ W_h2 + b_h2

if __name__ == "__main__":
    import jax
    _d = setup_inputs()
    print(jax.jit(kernel)(*tuple(_d.values())))

</pallas_src>

<mosaic_0001>
#map = affine_map<(d0, d1) -> (0, 0)>
#map1 = affine_map<(d0, d1) -> (0, 0, 0)>
module attributes {stable_mosaic.version = 14 : i64} {
  func.func @_sc_body(%arg0: i32, %arg1: i32, %arg2: memref<10240x32xi32, #tpu.memory_space<hbm>>, %arg3: memref<2560x128xi32, #tpu.memory_space<hbm>>, %arg4: memref<2560x128xi32, #tpu.memory_space<hbm>>, %arg5: memref<10240x64xf32, #tpu.memory_space<hbm>>, %arg6: memref<2x10240x64xf32, #tpu.memory_space<hbm>>, %arg7: memref<32x10240xf32, #tpu.memory_space<hbm>>, %arg8: memref<80x128xi32, #tpu.memory_space<vmem>>, %arg9: memref<80x128xi32, #tpu.memory_space<vmem>>, %arg10: memref<4x128x32xi32, #tpu.memory_space<vmem>>, %arg11: memref<128x64xf32, #tpu.memory_space<vmem>>, %arg12: memref<10240xf32, #tpu.memory_space<vmem>>, %arg13: memref<10240x64xf32, #tpu.memory_space<vmem_shared>>, %arg14: memref<!tpu.dma_semaphore, #tpu.memory_space<semaphore_mem>>, %arg15: memref<!tpu.dma_semaphore, #tpu.memory_space<semaphore_mem>>, %arg16: memref<!tpu.dma_semaphore, #tpu.memory_space<semaphore_mem>>, %arg17: memref<!tpu.dma_semaphore, #tpu.memory_space<semaphore_mem>>, %arg18: memref<!tpu.dma_semaphore, #tpu.memory_space<semaphore_mem>>, %arg19: memref<!tpu.dma_semaphore, #tpu.memory_space<semaphore_mem>>, %arg20: memref<!tpu.dma_semaphore, #tpu.memory_space<semaphore_mem>>, %arg21: memref<!tpu.dma_semaphore, #tpu.memory_space<semaphore_mem>>) attributes {dimension_semantics = [#tpu.dimension_semantics<core_parallel>, #tpu.dimension_semantics<subcore_parallel>], iteration_bounds = array<i64: 2, 16>, scalar_prefetch = 0 : i64, scratch_operands = 14 : i64, tpu.core_type = #tpu.core_type<sc_vector_subcore>, window_params = [{transform_indices = #map}, {transform_indices = #map}, {transform_indices = #map}, {transform_indices = #map}, {transform_indices = #map1}, {transform_indices = #map}]} {
    %mul3A = arith.constant 2 : i32
    %mul3A_0 = arith.muli %arg1, %mul3A : i32
    %add3A = arith.addi %mul3A_0, %arg0 : i32
    %mul3A_1 = arith.constant 80 : i32
    %mul3A_2 = arith.muli %add3A, %mul3A_1 : i32
    "tpu.trace_start"() <{level = 10 : i32, message = "sc_zero"}> : () -> ()
    %mul3A_3 = arith.constant 640 : i32
    %mul3A_4 = arith.muli %arg1, %mul3A_3 : i32
    %mul3A_5 = arith.constant 640 : i32
    %mul3A_6 = arith.muli %arg1, %mul3A_5 : i32
    "tpu.region"() ({
      %run_scoped3A = tpu.sem_alloc : memref<!tpu.dma_semaphore, #tpu.memory_space<semaphore_mem>>
      %dma_start3A_134 = arith.constant 0 : i32
      %dma_start3A_135 = tpu.memref_slice %arg13[%mul3A_6, %dma_start3A_134] : memref<10240x64xf32, #tpu.memory_space<vmem_shared>> -> memref<640x64xf32, #tpu.memory_space<vmem_shared>>
      %dma_start3A_136 = arith.constant 0 : i32
      %dma_start3A_137 = tpu.memref_slice %arg5[%mul3A_4, %dma_start3A_136] : memref<10240x64xf32, #tpu.memory_space<hbm>> -> memref<640x64xf32, #tpu.memory_space<hbm>>
      tpu.enqueue_dma source(%dma_start3A_137 : memref<640x64xf32, #tpu.memory_space<hbm>>) target(%dma_start3A_135 : memref<640x64xf32, #tpu.memory_space<vmem_shared>>) target_semaphore(%run_scoped3A : memref<!tpu.dma_semaphore, #tpu.memory_space<semaphore_mem>>)
      %dma_wait3A_138 = arith.constant 0 : i32
      %dma_wait3A_139 = tpu.memref_slice %arg13[%mul3A_6, %dma_wait3A_138] : memref<10240x64xf32, #tpu.memory_space<vmem_shared>> -> memref<640x64xf32, #tpu.memory_space<vmem_shared>>
      %dma_wait3A_140 = arith.constant 0 : i32
      %dma_wait3A_141 = tpu.memref_slice %arg5[%mul3A_4, %dma_wait3A_140] : memref<10240x64xf32, #tpu.memory_space<hbm>> -> memref<640x64xf32, #tpu.memory_space<hbm>>
      tpu.wait_dma2 semaphore(%run_scoped3A : memref<!tpu.dma_semaphore, #tpu.memory_space<semaphore_mem>>) src(%dma_wait3A_141 : memref<640x64xf32, #tpu.memory_space<hbm>>) dst(%dma_wait3A_139 : memref<640x64xf32, #tpu.memory_space<vmem_shared>>)
      tpu.yield
    }) : () -> ()
    %scan3A = arith.constant 0 : i32
    %scan3A_7 = arith.constant 0 : i32
    %scan3A_8 = arith.constant 640 : i32
    %scan3A_9 = arith.addi %scan3A_7, %scan3A_8 : i32
    %scan3A_10 = arith.constant 1 : i32
    scf.for %scan3A_134 = %scan3A_7 to %scan3A_9 step %scan3A_10  : i32 {
      %broadcast_in_dim3A_135 = arith.constant 0.000000e+00 : f32
      %broadcast_in_dim3A_136 = vector.broadcast %broadcast_in_dim3A_135 : f32 to vector<16xf32>
      %mul3A_137 = arith.constant 16 : i32
      %mul3A_138 = arith.muli %scan3A_134, %mul3A_137 : i32
      %swap3A = arith.index_cast %mul3A_138 : i32 to index
      %swap3A_139 = tpu.vector_load %arg12[%swap3A] {strides = array<i32>} : memref<10240xf32, #tpu.memory_space<vmem>>, vector<16xf32>,
      tpu.vector_store %arg12[%swap3A], %broadcast_in_dim3A_136 {strides = array<i32>} : memref<10240xf32, #tpu.memory_space<vmem>>, vector<16xf32>,
    }
    %scan3A_11 = arith.constant 640 : i32
    "tpu.trace_stop"() : () -> ()
    "tpu.trace_start"() <{level = 10 : i32, message = "sc_barrier0"}> : () -> ()
    %barrier3A = arith.constant 0 : index
    tpu.barrier barrier_id(%barrier3A)
    %broadcast_in_dim3A = arith.constant 1.000000e+00 : f32
    "tpu.trace_stop"() : () -> ()
    %broadcast_in_dim3A_12 = vector.broadcast %broadcast_in_dim3A : f32 to vector<16xf32>
    "tpu.trace_start"() <{level = 10 : i32, message = "sc_prime"}> : () -> ()
    %dma_start3A = arith.constant 0 : i32
    %dma_start3A_13 = tpu.memref_slice %arg3[%mul3A_2, %dma_start3A] : memref<2560x128xi32, #tpu.memory_space<hbm>> -> memref<80x128xi32, #tpu.memory_space<hbm>>
    %dma_start3A_14 = arith.constant 0 : i32
    %dma_start3A_15 = tpu.memref_slice %arg3[%mul3A_2, %dma_start3A_14] : memref<2560x128xi32, #tpu.memory_space<hbm>> -> memref<80x128xi32, #tpu.memory_space<hbm>>
    tpu.enqueue_dma source(%dma_start3A_15 : memref<80x128xi32, #tpu.memory_space<hbm>>) target(%arg8 : memref<80x128xi32, #tpu.memory_space<vmem>>) target_semaphore(%arg14 : memref<!tpu.dma_semaphore, #tpu.memory_space<semaphore_mem>>)
    %dma_start3A_16 = arith.constant 0 : i32
    %dma_start3A_17 = tpu.memref_slice %arg4[%mul3A_2, %dma_start3A_16] : memref<2560x128xi32, #tpu.memory_space<hbm>> -> memref<80x128xi32, #tpu.memory_space<hbm>>
    %dma_start3A_18 = arith.constant 0 : i32
    %dma_start3A_19 = tpu.memref_slice %arg4[%mul3A_2, %dma_start3A_18] : memref<2560x128xi32, #tpu.memory_space<hbm>> -> memref<80x128xi32, #tpu.memory_space<hbm>>
    tpu.enqueue_dma source(%dma_start3A_19 : memref<80x128xi32, #tpu.memory_space<hbm>>) target(%arg9 : memref<80x128xi32, #tpu.memory_space<vmem>>) target_semaphore(%arg15 : memref<!tpu.dma_semaphore, #tpu.memory_space<semaphore_mem>>)
    %dma_wait3A = arith.constant 0 : i32
    %dma_wait3A_20 = tpu.memref_slice %arg3[%mul3A_2, %dma_wait3A] : memref<2560x128xi32, #tpu.memory_space<hbm>> -> memref<80x128xi32, #tpu.memory_space<hbm>>
    %dma_wait3A_21 = arith.constant 0 : i32
    %dma_wait3A_22 = tpu.memref_slice %arg3[%mul3A_2, %dma_wait3A_21] : memref<2560x128xi32, #tpu.memory_space<hbm>> -> memref<80x128xi32, #tpu.memory_space<hbm>>
    tpu.wait_dma2 semaphore(%arg14 : memref<!tpu.dma_semaphore, #tpu.memory_space<semaphore_mem>>) src(%dma_wait3A_22 : memref<80x128xi32, #tpu.memory_space<hbm>>) dst(%arg8 : memref<80x128xi32, #tpu.memory_space<vmem>>)
    %dma_wait3A_23 = arith.constant 0 : i32
    %dma_wait3A_24 = tpu.memref_slice %arg4[%mul3A_2, %dma_wait3A_23] : memref<2560x128xi32, #tpu.memory_space<hbm>> -> memref<80x128xi32, #tpu.memory_space<hbm>>
    %dma_wait3A_25 = arith.constant 0 : i32
    %dma_wait3A_26 = tpu.memref_slice %arg4[%mul3A_2, %dma_wait3A_25] : memref<2560x128xi32, #tpu.memory_space<hbm>> -> memref<80x128xi32, #tpu.memory_space<hbm>>
    tpu.wait_dma2 semaphore(%arg15 : memref<!tpu.dma_semaphore, #tpu.memory_space<semaphore_mem>>) src(%dma_wait3A_26 : memref<80x128xi32, #tpu.memory_space<hbm>>) dst(%arg9 : memref<80x128xi32, #tpu.memory_space<vmem>>)
    %dma_start3A_27 = arith.constant 0 : i32
    %dma_start3A_28 = arith.constant 0 : i32
    %dma_start3A_29 = arith.constant 0 : i32
    %dma_start3A_30 = arith.constant 0 : i32
    %dma_start3A_31 = tpu.memref_slice %arg10[%dma_start3A_28, %dma_start3A_29, %dma_start3A_30] : memref<4x128x32xi32, #tpu.memory_space<vmem>> -> memref<1x128x32xi32, #tpu.memory_space<vmem>>
    %dma_start3A_32 = tpu.memref_squeeze %dma_start3A_31 : memref<1x128x32xi32, #tpu.memory_space<vmem>> -> memref<128x32xi32, #tpu.memory_space<vmem>>
    %dma_start3A_33 = arith.constant 0 : i32
    %dma_start3A_34 = tpu.memref_slice %arg8[%dma_start3A_27, %dma_start3A_33] : memref<80x128xi32, #tpu.memory_space<vmem>> -> memref<1x128xi32, #tpu.memory_space<vmem>>
    %dma_start3A_35 = tpu.memref_squeeze %dma_start3A_34 : memref<1x128xi32, #tpu.memory_space<vmem>> -> memref<128xi32, #tpu.memory_space<vmem>>
    %dma_start3A_36 = arith.constant 0 : i32
    %dma_start3A_37 = arith.constant 0 : i32
    %dma_start3A_38 = tpu.memref_slice %arg2[%dma_start3A_36, %dma_start3A_37] : memref<10240x32xi32, #tpu.memory_space<hbm>> -> memref<10240x32xi32, #tpu.memory_space<hbm>>
    tpu.enqueue_indirect_dma source(%dma_start3A_38 : memref<10240x32xi32, #tpu.memory_space<hbm>>) target(%dma_start3A_32 : memref<128x32xi32, #tpu.memory_space<vmem>>) offsets(%dma_start3A_35 : memref<128xi32, #tpu.memory_space<vmem>>) semaphore(%arg18 : memref<!tpu.dma_semaphore, #tpu.memory_space<semaphore_mem>>)
    %dma_start3A_39 = arith.constant 1 : i32
    %dma_start3A_40 = arith.constant 1 : i32
    %dma_start3A_41 = arith.constant 0 : i32
    %dma_start3A_42 = arith.constant 0 : i32
    %dma_start3A_43 = tpu.memref_slice %arg10[%dma_start3A_40, %dma_start3A_41, %dma_start3A_42] : memref<4x128x32xi32, #tpu.memory_space<vmem>> -> memref<1x128x32xi32, #tpu.memory_space<vmem>>
    %dma_start3A_44 = tpu.memref_squeeze %dma_start3A_43 : memref<1x128x32xi32, #tpu.memory_space<vmem>> -> memref<128x32xi32, #tpu.memory_space<vmem>>
    %dma_start3A_45 = arith.constant 0 : i32
    %dma_start3A_46 = tpu.memref_slice %arg8[%dma_start3A_39, %dma_start3A_45] : memref<80x128xi32, #tpu.memory_space<vmem>> -> memref<1x128xi32, #tpu.memory_space<vmem>>
    %dma_start3A_47 = tpu.memref_squeeze %dma_start3A_46 : memref<1x128xi32, #tpu.memory_space<vmem>> -> memref<128xi32, #tpu.memory_space<vmem>>
    %dma_start3A_48 = arith.constant 0 : i32
    %dma_start3A_49 = arith.constant 0 : i32
    %dma_start3A_50 = tpu.memref_slice %arg2[%dma_start3A_48, %dma_start3A_49] : memref<10240x32xi32, #tpu.memory_space<hbm>> -> memref<10240x32xi32, #tpu.memory_space<hbm>>
    tpu.enqueue_indirect_dma source(%dma_start3A_50 : memref<10240x32xi32, #tpu.memory_space<hbm>>) target(%dma_start3A_44 : memref<128x32xi32, #tpu.memory_space<vmem>>) offsets(%dma_start3A_47 : memref<128xi32, #tpu.memory_space<vmem>>) semaphore(%arg19 : memref<!tpu.dma_semaphore, #tpu.memory_space<semaphore_mem>>)
    %dma_start3A_51 = arith.constant 2 : i32
    %dma_start3A_52 = arith.constant 2 : i32
    %dma_start3A_53 = arith.constant 0 : i32
    %dma_start3A_54 = arith.constant 0 : i32
    %dma_start3A_55 = tpu.memref_slice %arg10[%dma_start3A_52, %dma_start3A_53, %dma_start3A_54] : memref<4x128x32xi32, #tpu.memory_space<vmem>> -> memref<1x128x32xi32, #tpu.memory_space<vmem>>
    %dma_start3A_56 = tpu.memref_squeeze %dma_start3A_55 : memref<1x128x32xi32, #tpu.memory_space<vmem>> -> memref<128x32xi32, #tpu.memory_space<vmem>>
    %dma_start3A_57 = arith.constant 0 : i32
    %dma_start3A_58 = tpu.memref_slice %arg8[%dma_start3A_51, %dma_start3A_57] : memref<80x128xi32, #tpu.memory_space<vmem>> -> memref<1x128xi32, #tpu.memory_space<vmem>>
    %dma_start3A_59 = tpu.memref_squeeze %dma_start3A_58 : memref<1x128xi32, #tpu.memory_space<vmem>> -> memref<128xi32, #tpu.memory_space<vmem>>
    %dma_start3A_60 = arith.constant 0 : i32
    %dma_start3A_61 = arith.constant 0 : i32
    %dma_start3A_62 = tpu.memref_slice %arg2[%dma_start3A_60, %dma_start3A_61] : memref<10240x32xi32, #tpu.memory_space<hbm>> -> memref<10240x32xi32, #tpu.memory_space<hbm>>
    tpu.enqueue_indirect_dma source(%dma_start3A_62 : memref<10240x32xi32, #tpu.memory_space<hbm>>) target(%dma_start3A_56 : memref<128x32xi32, #tpu.memory_space<vmem>>) offsets(%dma_start3A_59 : memref<128xi32, #tpu.memory_space<vmem>>) semaphore(%arg20 : memref<!tpu.dma_semaphore, #tpu.memory_space<semaphore_mem>>)
    %dma_start3A_63 = arith.constant 3 : i32
    %dma_start3A_64 = arith.constant 3 : i32
    %dma_start3A_65 = arith.constant 0 : i32
    %dma_start3A_66 = arith.constant 0 : i32
    %dma_start3A_67 = tpu.memref_slice %arg10[%dma_start3A_64, %dma_start3A_65, %dma_start3A_66] : memref<4x128x32xi32, #tpu.memory_space<vmem>> -> memref<1x128x32xi32, #tpu.memory_space<vmem>>
    %dma_start3A_68 = tpu.memref_squeeze %dma_start3A_67 : memref<1x128x32xi32, #tpu.memory_space<vmem>> -> memref<128x32xi32, #tpu.memory_space<vmem>>
    %dma_start3A_69 = arith.constant 0 : i32
    %dma_start3A_70 = tpu.memref_slice %arg8[%dma_start3A_63, %dma_start3A_69] : memref<80x128xi32, #tpu.memory_space<vmem>> -> memref<1x128xi32, #tpu.memory_space<vmem>>
    %dma_start3A_71 = tpu.memref_squeeze %dma_start3A_70 : memref<1x128xi32, #tpu.memory_space<vmem>> -> memref<128xi32, #tpu.memory_space<vmem>>
    %dma_start3A_72 = arith.constant 0 : i32
    %dma_start3A_73 = arith.constant 0 : i32
    %dma_start3A_74 = tpu.memref_slice %arg2[%dma_start3A_72, %dma_start3A_73] : memref<10240x32xi32, #tpu.memory_space<hbm>> -> memref<10240x32xi32, #tpu.memory_space<hbm>>
    tpu.enqueue_indirect_dma source(%dma_start3A_74 : memref<10240x32xi32, #tpu.memory_space<hbm>>) target(%dma_start3A_68 : memref<128x32xi32, #tpu.memory_space<vmem>>) offsets(%dma_start3A_71 : memref<128xi32, #tpu.memory_space<vmem>>) semaphore(%arg21 : memref<!tpu.dma_semaphore, #tpu.memory_space<semaphore_mem>>)
    "tpu.trace_stop"() : () -> ()
    "tpu.trace_start"() <{level = 10 : i32, message = "sc_main"}> : () -> ()
    %scan3A_75 = arith.constant 0 : i32
    %scan3A_76 = arith.constant 0 : i32
    %scan3A_77 = arith.constant 20 : i32
    %scan3A_78 = arith.addi %scan3A_76, %scan3A_77 : i32
    %scan3A_79 = arith.constant 1 : i32
    scf.for %scan3A_134 = %scan3A_76 to %scan3A_78 step %scan3A_79  : i32 {
      %mul3A_135 = arith.constant 4 : i32
      %mul3A_136 = arith.muli %scan3A_134, %mul3A_135 : i32
      %add3A_137 = arith.constant 0 : i32
      %add3A_138 = arith.addi %mul3A_136, %add3A_137 : i32
      %add3A_139 = arith.constant 4 : i32
      %add3A_140 = arith.addi %add3A_138, %add3A_139 : i32
      %min3A = arith.constant 79 : i32
      %min3A_141 = arith.minsi %add3A_140, %min3A : i32
      %dma_wait3A_142 = arith.constant 0 : i32
      %dma_wait3A_143 = arith.constant 0 : i32
      %dma_wait3A_144 = arith.constant 0 : i32
      %dma_wait3A_145 = tpu.memref_slice %arg10[%dma_wait3A_142, %dma_wait3A_143, %dma_wait3A_144] : memref<4x128x32xi32, #tpu.memory_space<vmem>> -> memref<1x128x32xi32, #tpu.memory_space<vmem>>
      %dma_wait3A_146 = tpu.memref_squeeze %dma_wait3A_145 : memref<1x128x32xi32, #tpu.memory_space<vmem>> -> memref<128x32xi32, #tpu.memory_space<vmem>>
      %dma_wait3A_147 = arith.constant 0 : i32
      %dma_wait3A_148 = tpu.memref_slice %arg8[%add3A_138, %dma_wait3A_147] : memref<80x128xi32, #tpu.memory_space<vmem>> -> memref<1x128xi32, #tpu.memory_space<vmem>>
      %dma_wait3A_149 = tpu.memref_squeeze %dma_wait3A_148 : memref<1x128xi32, #tpu.memory_space<vmem>> -> memref<128xi32, #tpu.memory_space<vmem>>
      %dma_wait3A_150 = arith.constant 0 : i32
      %dma_wait3A_151 = arith.constant 0 : i32
      %dma_wait3A_152 = tpu.memref_slice %arg2[%dma_wait3A_150, %dma_wait3A_151] : memref<10240x32xi32, #tpu.memory_space<hbm>> -> memref<10240x32xi32, #tpu.memory_space<hbm>>
      tpu.wait_indirect_dma semaphore(%arg18 : memref<!tpu.dma_semaphore, #tpu.memory_space<semaphore_mem>>) src(%dma_wait3A_152 : memref<10240x32xi32, #tpu.memory_space<hbm>>) dst(%dma_wait3A_146 : memref<128x32xi32, #tpu.memory_space<vmem>>)
      %get3A = arith.index_cast %add3A_138 : i32 to index
      %get3A_153 = arith.constant 0 : index
      %get3A_154 = tpu.vector_load %arg9[%get3A, %get3A_153] {strides = array<i32>} : memref<80x128xi32, #tpu.memory_space<vmem>>, vector<16xi32>,
      tpu.vector_store_idx %arg12[%get3A_154], %broadcast_in_dim3A_12 {add = true} : memref<10240xf32, #tpu.memory_space<vmem>>[vector<16xi32>], vector<16xf32>,
      %get3A_155 = arith.index_cast %add3A_138 : i32 to index
      %get3A_156 = arith.constant 16 : index
      %get3A_157 = tpu.vector_load %arg9[%get3A_155, %get3A_156] {strides = array<i32>} : memref<80x128xi32, #tpu.memory_space<vmem>>, vector<16xi32>,
      tpu.vector_store_idx %arg12[%get3A_157], %broadcast_in_dim3A_12 {add = true} : memref<10240xf32, #tpu.memory_space<vmem>>[vector<16xi32>], vector<16xf32>,
      %get3A_158 = arith.index_cast %add3A_138 : i32 to index
      %get3A_159 = arith.constant 32 : index
      %get3A_160 = tpu.vector_load %arg9[%get3A_158, %get3A_159] {strides = array<i32>} : memref<80x128xi32, #tpu.memory_space<vmem>>, vector<16xi32>,
      tpu.vector_store_idx %arg12[%get3A_160], %broadcast_in_dim3A_12 {add = true} : memref<10240xf32, #tpu.memory_space<vmem>>[vector<16xi32>], vector<16xf32>,
      %get3A_161 = arith.index_cast %add3A_138 : i32 to index
      %get3A_162 = arith.constant 48 : index
      %get3A_163 = tpu.vector_load %arg9[%get3A_161, %get3A_162] {strides = array<i32>} : memref<80x128xi32, #tpu.memory_space<vmem>>, vector<16xi32>,
      tpu.vector_store_idx %arg12[%get3A_163], %broadcast_in_dim3A_12 {add = true} : memref<10240xf32, #tpu.memory_space<vmem>>[vector<16xi32>], vector<16xf32>,
      %get3A_164 = arith.index_cast %add3A_138 : i32 to index
      %get3A_165 = arith.constant 64 : index
      %get3A_166 = tpu.vector_load %arg9[%get3A_164, %get3A_165] {strides = array<i32>} : memref<80x128xi32, #tpu.memory_space<vmem>>, vector<16xi32>,
      tpu.vector_store_idx %arg12[%get3A_166], %broadcast_in_dim3A_12 {add = true} : memref<10240xf32, #tpu.memory_space<vmem>>[vector<16xi32>], vector<16xf32>,
      %get3A_167 = arith.index_cast %add3A_138 : i32 to index
      %get3A_168 = arith.constant 80 : index
      %get3A_169 = tpu.vector_load %arg9[%get3A_167, %get3A_168] {strides = array<i32>} : memref<80x128xi32, #tpu.memory_space<vmem>>, vector<16xi32>,
      tpu.vector_store_idx %arg12[%get3A_169], %broadcast_in_dim3A_12 {add = true} : memref<10240xf32, #tpu.memory_space<vmem>>[vector<16xi32>], vector<16xf32>,
      %get3A_170 = arith.index_cast %add3A_138 : i32 to index
      %get3A_171 = arith.constant 96 : index
      %get3A_172 = tpu.vector_load %arg9[%get3A_170, %get3A_171] {strides = array<i32>} : memref<80x128xi32, #tpu.memory_space<vmem>>, vector<16xi32>,
      tpu.vector_store_idx %arg12[%get3A_172], %broadcast_in_dim3A_12 {add = true} : memref<10240xf32, #tpu.memory_space<vmem>>[vector<16xi32>], vector<16xf32>,
      %get3A_173 = arith.index_cast %add3A_138 : i32 to index
      %get3A_174 = arith.constant 112 : index
      %get3A_175 = tpu.vector_load %arg9[%get3A_173, %get3A_174] {strides = array<i32>} : memref<80x128xi32, #tpu.memory_space<vmem>>, vector<16xi32>,
      tpu.vector_store_idx %arg12[%get3A_175], %broadcast_in_dim3A_12 {add = true} : memref<10240xf32, #tpu.memory_space<vmem>>[vector<16xi32>], vector<16xf32>,
      %scan3A_176 = arith.constant 0 : i32
      %scan3A_177 = arith.constant 0 : i32
      %scan3A_178 = arith.constant 128 : i32
      %scan3A_179 = arith.addi %scan3A_177, %scan3A_178 : i32
      %scan3A_180 = arith.constant 1 : i32
      scf.for %scan3A_373 = %scan3A_177 to %scan3A_179 step %scan3A_180  : i32 {
        %get3A_374 = arith.constant 0 : i32
        %get3A_375 = arith.index_cast %get3A_374 : i32 to index
        %get3A_376 = arith.index_cast %scan3A_373 : i32 to index
        %get3A_377 = arith.constant 0 : index
        %get3A_378 = tpu.vector_load %arg10[%get3A_375, %get3A_376, %get3A_377] {strides = array<i32>} : memref<4x128x32xi32, #tpu.memory_space<vmem>>, vector<16xi32>,
        %and3A = arith.constant -65536 : i32
        %and3A_379 = vector.broadcast %and3A : i32 to vector<16xi32>
        %and3A_380 = arith.andi %get3A_378, %and3A_379 : vector<16xi32>
        %bitcast_convert_type3A = tpu.bitcast %and3A_380 : vector<16xi32> -> vector<16xf32>
        %swap3A = arith.index_cast %scan3A_373 : i32 to index
        %swap3A_381 = arith.constant 0 : index
        %swap3A_382 = tpu.vector_load %arg11[%swap3A, %swap3A_381] {strides = array<i32>} : memref<128x64xf32, #tpu.memory_space<vmem>>, vector<16xf32>,
        tpu.vector_store %arg11[%swap3A, %swap3A_381], %bitcast_convert_type3A {strides = array<i32>} : memref<128x64xf32, #tpu.memory_space<vmem>>, vector<16xf32>,
        %shift_left3A = arith.constant 16 : i32
        %shift_left3A_383 = vector.broadcast %shift_left3A : i32 to vector<16xi32>
        %shift_left3A_384 = arith.shli %get3A_378, %shift_left3A_383 : vector<16xi32>
        %bitcast_convert_type3A_385 = tpu.bitcast %shift_left3A_384 : vector<16xi32> -> vector<16xf32>
        %swap3A_386 = arith.index_cast %scan3A_373 : i32 to index
        %swap3A_387 = arith.constant 32 : index
        %swap3A_388 = tpu.vector_load %arg11[%swap3A_386, %swap3A_387] {strides = array<i32>} : memref<128x64xf32, #tpu.memory_space<vmem>>, vector<16xf32>,
        tpu.vector_store %arg11[%swap3A_386, %swap3A_387], %bitcast_convert_type3A_385 {strides = array<i32>} : memref<128x64xf32, #tpu.memory_space<vmem>>, vector<16xf32>,
        %get3A_389 = arith.constant 0 : i32
        %get3A_390 = arith.index_cast %get3A_389 : i32 to index
        %get3A_391 = arith.index_cast %scan3A_373 : i32 to index
        %get3A_392 = arith.constant 16 : index
        %get3A_393 = tpu.vector_load %arg10[%get3A_390, %get3A_391, %get3A_392] {strides = array<i32>} : memref<4x128x32xi32, #tpu.memory_space<vmem>>, vector<16xi32>,
        %and3A_394 = arith.constant -65536 : i32
        %and3A_395 = vector.broadcast %and3A_394 : i32 to vector<16xi32>
        %and3A_396 = arith.andi %get3A_393, %and3A_395 : vector<16xi32>
        %bitcast_convert_type3A_397 = tpu.bitcast %and3A_396 : vector<16xi32> -> vector<16xf32>
        %swap3A_398 = arith.index_cast %scan3A_373 : i32 to index
        %swap3A_399 = arith.constant 16 : index
        %swap3A_400 = tpu.vector_load %arg11[%swap3A_398, %swap3A_399] {strides = array<i32>} : memref<128x64xf32, #tpu.memory_space<vmem>>, vector<16xf32>,
        tpu.vector_store %arg11[%swap3A_398, %swap3A_399], %bitcast_convert_type3A_397 {strides = array<i32>} : memref<128x64xf32, #tpu.memory_space<vmem>>, vector<16xf32>,
        %shift_left3A_401 = arith.constant 16 : i32
        %shift_left3A_402 = vector.broadcast %shift_left3A_401 : i32 to vector<16xi32>
        %shift_left3A_403 = arith.shli %get3A_393, %shift_left3A_402 : vector<16xi32>
        %bitcast_convert_type3A_404 = tpu.bitcast %shift_left3A_403 : vector<16xi32> -> vector<16xf32>
        %swap3A_405 = arith.index_cast %scan3A_373 : i32 to index
        %swap3A_406 = arith.constant 48 : index
        %swap3A_407 = tpu.vector_load %arg11[%swap3A_405, %swap3A_406] {strides = array<i32>} : memref<128x64xf32, #tpu.memory_space<vmem>>, vector<16xf32>,
        tpu.vector_store %arg11[%swap3A_405, %swap3A_406], %bitcast_convert_type3A_404 {strides = array<i32>} : memref<128x64xf32, #tpu.memory_space<vmem>>, vector<16xf32>,
      }
      %scan3A_181 = arith.constant 128 : i32
      "tpu.region"() ({
        %run_scoped3A = tpu.sem_alloc : memref<!tpu.dma_semaphore, #tpu.memory_space<semaphore_mem>>
        %dma_start3A_373 = arith.constant 0 : i32
        %dma_start3A_374 = tpu.memref_slice %arg9[%add3A_138, %dma_start3A_373] : memref<80x128xi32, #tpu.memory_space<vmem>> -> memref<1x128xi32, #tpu.memory_space<vmem>>
        %dma_start3A_375 = tpu.memref_squeeze %dma_start3A_374 : memref<1x128xi32, #tpu.memory_space<vmem>> -> memref<128xi32, #tpu.memory_space<vmem>>
        %dma_start3A_376 = arith.constant 0 : i32
        %dma_start3A_377 = arith.constant 0 : i32
        %dma_start3A_378 = tpu.memref_slice %arg13[%dma_start3A_376, %dma_start3A_377] : memref<10240x64xf32, #tpu.memory_space<vmem_shared>> -> memref<10240x64xf32, #tpu.memory_space<vmem_shared>>
        tpu.enqueue_indirect_dma source(%arg11 : memref<128x64xf32, #tpu.memory_space<vmem>>) target(%dma_start3A_378 : memref<10240x64xf32, #tpu.memory_space<vmem_shared>>) offsets(%dma_start3A_375 : memref<128xi32, #tpu.memory_space<vmem>>) semaphore(%run_scoped3A : memref<!tpu.dma_semaphore, #tpu.memory_space<semaphore_mem>>) {add = true}
        %dma_wait3A_379 = arith.constant 0 : i32
        %dma_wait3A_380 = tpu.memref_slice %arg9[%add3A_138, %dma_wait3A_379] : memref<80x128xi32, #tpu.memory_space<vmem>> -> memref<1x128xi32, #tpu.memory_space<vmem>>
        %dma_wait3A_381 = tpu.memref_squeeze %dma_wait3A_380 : memref<1x128xi32, #tpu.memory_space<vmem>> -> memref<128xi32, #tpu.memory_space<vmem>>
        %dma_wait3A_382 = arith.constant 0 : i32
        %dma_wait3A_383 = arith.constant 0 : i32
        %dma_wait3A_384 = tpu.memref_slice %arg13[%dma_wait3A_382, %dma_wait3A_383] : memref<10240x64xf32, #tpu.memory_space<vmem_shared>> -> memref<10240x64xf32, #tpu.memory_space<vmem_shared>>
        tpu.wait_indirect_dma semaphore(%run_scoped3A : memref<!tpu.dma_semaphore, #tpu.memory_space<semaphore_mem>>) src(%arg11 : memref<128x64xf32, #tpu.memory_space<vmem>>) dst(%dma_wait3A_384 : memref<10240x64xf32, #tpu.memory_space<vmem_shared>>)
        tpu.yield
      }) : () -> ()
      %dma_start3A_182 = arith.constant 0 : i32
      %dma_start3A_183 = arith.constant 0 : i32
      %dma_start3A_184 = arith.constant 0 : i32
      %dma_start3A_185 = tpu.memref_slice %arg10[%dma_start3A_182, %dma_start3A_183, %dma_start3A_184] : memref<4x128x32xi32, #tpu.memory_space<vmem>> -> memref<1x128x32xi32, #tpu.memory_space<vmem>>
      %dma_start3A_186 = tpu.memref_squeeze %dma_start3A_185 : memref<1x128x32xi32, #tpu.memory_space<vmem>> -> memref<128x32xi32, #tpu.memory_space<vmem>>
      %dma_start3A_187 = arith.constant 0 : i32
      %dma_start3A_188 = tpu.memref_slice %arg8[%min3A_141, %dma_start3A_187] : memref<80x128xi32, #tpu.memory_space<vmem>> -> memref<1x128xi32, #tpu.memory_space<vmem>>
      %dma_start3A_189 = tpu.memref_squeeze %dma_start3A_188 : memref<1x128xi32, #tpu.memory_space<vmem>> -> memref<128xi32, #tpu.memory_space<vmem>>
      %dma_start3A_190 = arith.constant 0 : i32
      %dma_start3A_191 = arith.constant 0 : i32
      %dma_start3A_192 = tpu.memref_slice %arg2[%dma_start3A_190, %dma_start3A_191] : memref<10240x32xi32, #tpu.memory_space<hbm>> -> memref<10240x32xi32, #tpu.memory_space<hbm>>
      tpu.enqueue_indirect_dma source(%dma_start3A_192 : memref<10240x32xi32, #tpu.memory_space<hbm>>) target(%dma_start3A_186 : memref<128x32xi32, #tpu.memory_space<vmem>>) offsets(%dma_start3A_189 : memref<128xi32, #tpu.memory_space<vmem>>) semaphore(%arg18 : memref<!tpu.dma_semaphore, #tpu.memory_space<semaphore_mem>>)
      %mul3A_193 = arith.constant 4 : i32
      %mul3A_194 = arith.muli %scan3A_134, %mul3A_193 : i32
      %add3A_195 = arith.constant 1 : i32
      %add3A_196 = arith.addi %mul3A_194, %add3A_195 : i32
      %add3A_197 = arith.constant 4 : i32
      %add3A_198 = arith.addi %add3A_196, %add3A_197 : i32
      %min3A_199 = arith.constant 79 : i32
      %min3A_200 = arith.minsi %add3A_198, %min3A_199 : i32
      %dma_wait3A_201 = arith.constant 1 : i32
      %dma_wait3A_202 = arith.constant 0 : i32
      %dma_wait3A_203 = arith.constant 0 : i32
      %dma_wait3A_204 = tpu.memref_slice %arg10[%dma_wait3A_201, %dma_wait3A_202, %dma_wait3A_203] : memref<4x128x32xi32, #tpu.memory_space<vmem>> -> memref<1x128x32xi32, #tpu.memory_space<vmem>>
      %dma_wait3A_205 = tpu.memref_squeeze %dma_wait3A_204 : memref<1x128x32xi32, #tpu.memory_space<vmem>> -> memref<128x32xi32, #tpu.memory_space<vmem>>
      %dma_wait3A_206 = arith.constant 0 : i32
      %dma_wait3A_207 = tpu.memref_slice %arg8[%add3A_196, %dma_wait3A_206] : memref<80x128xi32, #tpu.memory_space<vmem>> -> memref<1x128xi32, #tpu.memory_space<vmem>>
      %dma_wait3A_208 = tpu.memref_squeeze %dma_wait3A_207 : memref<1x128xi32, #tpu.memory_space<vmem>> -> memref<128xi32, #tpu.memory_space<vmem>>
      %dma_wait3A_209 = arith.constant 0 : i32
      %dma_wait3A_210 = arith.constant 0 : i32
      %dma_wait3A_211 = tpu.memref_slice %arg2[%dma_wait3A_209, %dma_wait3A_210] : memref<10240x32xi32, #tpu.memory_space<hbm>> -> memref<10240x32xi32, #tpu.memory_space<hbm>>
      tpu.wait_indirect_dma semaphore(%arg19 : memref<!tpu.dma_semaphore, #tpu.memory_space<semaphore_mem>>) src(%dma_wait3A_211 : memref<10240x32xi32, #tpu.memory_space<hbm>>) dst(%dma_wait3A_205 : memref<128x32xi32, #tpu.memory_space<vmem>>)
      %get3A_212 = arith.index_cast %add3A_196 : i32 to index
      %get3A_213 = arith.constant 0 : index
      %get3A_214 = tpu.vector_load %arg9[%get3A_212, %get3A_213] {strides = array<i32>} : memref<80x128xi32, #tpu.memory_space<vmem>>, vector<16xi32>,
      tpu.vector_store_idx %arg12[%get3A_214], %broadcast_in_dim3A_12 {add = true} : memref<10240xf32, #tpu.memory_space<vmem>>[vector<16xi32>], vector<16xf32>,
      %get3A_215 = arith.index_cast %add3A_196 : i32 to index
      %get3A_216 = arith.constant 16 : index
      %get3A_217 = tpu.vector_load %arg9[%get3A_215, %get3A_216] {strides = array<i32>} : memref<80x128xi32, #tpu.memory_space<vmem>>, vector<16xi32>,
      tpu.vector_store_idx %arg12[%get3A_217], %broadcast_in_dim3A_12 {add = true} : memref<10240xf32, #tpu.memory_space<vmem>>[vector<16xi32>], vector<16xf32>,
      %get3A_218 = arith.index_cast %add3A_196 : i32 to index
      %get3A_219 = arith.constant 32 : index
      %get3A_220 = tpu.vector_load %arg9[%get3A_218, %get3A_219] {strides = array<i32>} : memref<80x128xi32, #tpu.memory_space<vmem>>, vector<16xi32>,
      tpu.vector_store_idx %arg12[%get3A_220], %broadcast_in_dim3A_12 {add = true} : memref<10240xf32, #tpu.memory_space<vmem>>[vector<16xi32>], vector<16xf32>,
      %get3A_221 = arith.index_cast %add3A_196 : i32 to index
      %get3A_222 = arith.constant 48 : index
      %get3A_223 = tpu.vector_load %arg9[%get3A_221, %get3A_222] {strides = array<i32>} : memref<80x128xi32, #tpu.memory_space<vmem>>, vector<16xi32>,
      tpu.vector_store_idx %arg12[%get3A_223], %broadcast_in_dim3A_12 {add = true} : memref<10240xf32, #tpu.memory_space<vmem>>[vector<16xi32>], vector<16xf32>,
      %get3A_224 = arith.index_cast %add3A_196 : i32 to index
      %get3A_225 = arith.constant 64 : index
      %get3A_226 = tpu.vector_load %arg9[%get3A_224, %get3A_225] {strides = array<i32>} : memref<80x128xi32, #tpu.memory_space<vmem>>, vector<16xi32>,
      tpu.vector_store_idx %arg12[%get3A_226], %broadcast_in_dim3A_12 {add = true} : memref<10240xf32, #tpu.memory_space<vmem>>[vector<16xi32>], vector<16xf32>,
      %get3A_227 = arith.index_cast %add3A_196 : i32 to index
      %get3A_228 = arith.constant 80 : index
      %get3A_229 = tpu.vector_load %arg9[%get3A_227, %get3A_228] {strides = array<i32>} : memref<80x128xi32, #tpu.memory_space<vmem>>, vector<16xi32>,
      tpu.vector_store_idx %arg12[%get3A_229], %broadcast_in_dim3A_12 {add = true} : memref<10240xf32, #tpu.memory_space<vmem>>[vector<16xi32>], vector<16xf32>,
      %get3A_230 = arith.index_cast %add3A_196 : i32 to index
      %get3A_231 = arith.constant 96 : index
      %get3A_232 = tpu.vector_load %arg9[%get3A_230, %get3A_231] {strides = array<i32>} : memref<80x128xi32, #tpu.memory_space<vmem>>, vector<16xi32>,
      tpu.vector_store_idx %arg12[%get3A_232], %broadcast_in_dim3A_12 {add = true} : memref<10240xf32, #tpu.memory_space<vmem>>[vector<16xi32>], vector<16xf32>,
      %get3A_233 = arith.index_cast %add3A_196 : i32 to index
      %get3A_234 = arith.constant 112 : index
      %get3A_235 = tpu.vector_load %arg9[%get3A_233, %get3A_234] {strides = array<i32>} : memref<80x128xi32, #tpu.memory_space<vmem>>, vector<16xi32>,
      tpu.vector_store_idx %arg12[%get3A_235], %broadcast_in_dim3A_12 {add = true} : memref<10240xf32, #tpu.memory_space<vmem>>[vector<16xi32>], vector<16xf32>,
      %scan3A_236 = arith.constant 0 : i32
      %scan3A_237 = arith.constant 0 : i32
      %scan3A_238 = arith.constant 128 : i32
      %scan3A_239 = arith.addi %scan3A_237, %scan3A_238 : i32
      %scan3A_240 = arith.constant 1 : i32
      scf.for %scan3A_373 = %scan3A_237 to %scan3A_239 step %scan3A_240  : i32 {
        %get3A_374 = arith.constant 1 : i32
        %get3A_375 = arith.index_cast %get3A_374 : i32 to index
        %get3A_376 = arith.index_cast %scan3A_373 : i32 to index
        %get3A_377 = arith.constant 0 : index
        %get3A_378 = tpu.vector_load %arg10[%get3A_375, %get3A_376, %get3A_377] {strides = array<i32>} : memref<4x128x32xi32, #tpu.memory_space<vmem>>, vector<16xi32>,
        %and3A = arith.constant -65536 : i32
        %and3A_379 = vector.broadcast %and3A : i32 to vector<16xi32>
        %and3A_380 = arith.andi %get3A_378, %and3A_379 : vector<16xi32>
        %bitcast_convert_type3A = tpu.bitcast %and3A_380 : vector<16xi32> -> vector<16xf32>
        %swap3A = arith.index_cast %scan3A_373 : i32 to index
        %swap3A_381 = arith.constant 0 : index
        %swap3A_382 = tpu.vector_load %arg11[%swap3A, %swap3A_381] {strides = array<i32>} : memref<128x64xf32, #tpu.memory_space<vmem>>, vector<16xf32>,
        tpu.vector_store %arg11[%swap3A, %swap3A_381], %bitcast_convert_type3A {strides = array<i32>} : memref<128x64xf32, #tpu.memory_space<vmem>>, vector<16xf32>,
        %shift_left3A = arith.constant 16 : i32
        %shift_left3A_383 = vector.broadcast %shift_left3A : i32 to vector<16xi32>
        %shift_left3A_384 = arith.shli %get3A_378, %shift_left3A_383 : vector<16xi32>
        %bitcast_convert_type3A_385 = tpu.bitcast %shift_left3A_384 : vector<16xi32> -> vector<16xf32>
        %swap3A_386 = arith.index_cast %scan3A_373 : i32 to index
        %swap3A_387 = arith.constant 32 : index
        %swap3A_388 = tpu.vector_load %arg11[%swap3A_386, %swap3A_387] {strides = array<i32>} : memref<128x64xf32, #tpu.memory_space<vmem>>, vector<16xf32>,
        tpu.vector_store %arg11[%swap3A_386, %swap3A_387], %bitcast_convert_type3A_385 {strides = array<i32>} : memref<128x64xf32, #tpu.memory_space<vmem>>, vector<16xf32>,
        %get3A_389 = arith.constant 1 : i32
        %get3A_390 = arith.index_cast %get3A_389 : i32 to index
        %get3A_391 = arith.index_cast %scan3A_373 : i32 to index
        %get3A_392 = arith.constant 16 : index
        %get3A_393 = tpu.vector_load %arg10[%get3A_390, %get3A_391, %get3A_392] {strides = array<i32>} : memref<4x128x32xi32, #tpu.memory_space<vmem>>, vector<16xi32>,
        %and3A_394 = arith.constant -65536 : i32
        %and3A_395 = vector.broadcast %and3A_394 : i32 to vector<16xi32>
        %and3A_396 = arith.andi %get3A_393, %and3A_395 : vector<16xi32>
        %bitcast_convert_type3A_397 = tpu.bitcast %and3A_396 : vector<16xi32> -> vector<16xf32>
        %swap3A_398 = arith.index_cast %scan3A_373 : i32 to index
        %swap3A_399 = arith.constant 16 : index
        %swap3A_400 = tpu.vector_load %arg11[%swap3A_398, %swap3A_399] {strides = array<i32>} : memref<128x64xf32, #tpu.memory_space<vmem>>, vector<16xf32>,
        tpu.vector_store %arg11[%swap3A_398, %swap3A_399], %bitcast_convert_type3A_397 {strides = array<i32>} : memref<128x64xf32, #tpu.memory_space<vmem>>, vector<16xf32>,
        %shift_left3A_401 = arith.constant 16 : i32
        %shift_left3A_402 = vector.broadcast %shift_left3A_401 : i32 to vector<16xi32>
        %shift_left3A_403 = arith.shli %get3A_393, %shift_left3A_402 : vector<16xi32>
        %bitcast_convert_type3A_404 = tpu.bitcast %shift_left3A_403 : vector<16xi32> -> vector<16xf32>
        %swap3A_405 = arith.index_cast %scan3A_373 : i32 to index
        %swap3A_406 = arith.constant 48 : index
        %swap3A_407 = tpu.vector_load %arg11[%swap3A_405, %swap3A_406] {strides = array<i32>} : memref<128x64xf32, #tpu.memory_space<vmem>>, vector<16xf32>,
        tpu.vector_store %arg11[%swap3A_405, %swap3A_406], %bitcast_convert_type3A_404 {strides = array<i32>} : memref<128x64xf32, #tpu.memory_space<vmem>>, vector<16xf32>,
      }
      %scan3A_241 = arith.constant 128 : i32
      "tpu.region"() ({
        %run_scoped3A = tpu.sem_alloc : memref<!tpu.dma_semaphore, #tpu.memory_space<semaphore_mem>>
        %dma_start3A_373 = arith.constant 0 : i32
        %dma_start3A_374 = tpu.memref_slice %arg9[%add3A_196, %dma_start3A_373] : memref<80x128xi32, #tpu.memory_space<vmem>> -> memref<1x128xi32, #tpu.memory_space<vmem>>
        %dma_start3A_375 = tpu.memref_squeeze %dma_start3A_374 : memref<1x128xi32, #tpu.memory_space<vmem>> -> memref<128xi32, #tpu.memory_space<vmem>>
        %dma_start3A_376 = arith.constant 0 : i32
        %dma_start3A_377 = arith.constant 0 : i32
        %dma_start3A_378 = tpu.memref_slice %arg13[%dma_start3A_376, %dma_start3A_377] : memref<10240x64xf32, #tpu.memory_space<vmem_shared>> -> memref<10240x64xf32, #tpu.memory_space<vmem_shared>>
        tpu.enqueue_indirect_dma source(%arg11 : memref<128x64xf32, #tpu.memory_space<vmem>>) target(%dma_start3A_378 : memref<10240x64xf32, #tpu.memory_space<vmem_shared>>) offsets(%dma_start3A_375 : memref<128xi32, #tpu.memory_space<vmem>>) semaphore(%run_scoped3A : memref<!tpu.dma_semaphore, #tpu.memory_space<semaphore_mem>>) {add = true}
        %dma_wait3A_379 = arith.constant 0 : i32
        %dma_wait3A_380 = tpu.memref_slice %arg9[%add3A_196, %dma_wait3A_379] : memref<80x128xi32, #tpu.memory_space<vmem>> -> memref<1x128xi32, #tpu.memory_space<vmem>>
        %dma_wait3A_381 = tpu.memref_squeeze %dma_wait3A_380 : memref<1x128xi32, #tpu.memory_space<vmem>> -> memref<128xi32, #tpu.memory_space<vmem>>
        %dma_wait3A_382 = arith.constant 0 : i32
        %dma_wait3A_383 = arith.constant 0 : i32
        %dma_wait3A_384 = tpu.memref_slice %arg13[%dma_wait3A_382, %dma_wait3A_383] : memref<10240x64xf32, #tpu.memory_space<vmem_shared>> -> memref<10240x64xf32, #tpu.memory_space<vmem_shared>>
        tpu.wait_indirect_dma semaphore(%run_scoped3A : memref<!tpu.dma_semaphore, #tpu.memory_space<semaphore_mem>>) src(%arg11 : memref<128x64xf32, #tpu.memory_space<vmem>>) dst(%dma_wait3A_384 : memref<10240x64xf32, #tpu.memory_space<vmem_shared>>)
        tpu.yield
      }) : () -> ()
      %dma_start3A_242 = arith.constant 1 : i32
      %dma_start3A_243 = arith.constant 0 : i32
      %dma_start3A_244 = arith.constant 0 : i32
      %dma_start3A_245 = tpu.memref_slice %arg10[%dma_start3A_242, %dma_start3A_243, %dma_start3A_244] : memref<4x128x32xi32, #tpu.memory_space<vmem>> -> memref<1x128x32xi32, #tpu.memory_space<vmem>>
      %dma_start3A_246 = tpu.memref_squeeze %dma_start3A_245 : memref<1x128x32xi32, #tpu.memory_space<vmem>> -> memref<128x32xi32, #tpu.memory_space<vmem>>
      %dma_start3A_247 = arith.constant 0 : i32
      %dma_start3A_248 = tpu.memref_slice %arg8[%min3A_200, %dma_start3A_247] : memref<80x128xi32, #tpu.memory_space<vmem>> -> memref<1x128xi32, #tpu.memory_space<vmem>>
      %dma_start3A_249 = tpu.memref_squeeze %dma_start3A_248 : memref<1x128xi32, #tpu.memory_space<vmem>> -> memref<128xi32, #tpu.memory_space<vmem>>
      %dma_start3A_250 = arith.constant 0 : i32
      %dma_start3A_251 = arith.constant 0 : i32
      %dma_start3A_252 = tpu.memref_slice %arg2[%dma_start3A_250, %dma_start3A_251] : memref<10240x32xi32, #tpu.memory_space<hbm>> -> memref<10240x32xi32, #tpu.memory_space<hbm>>
      tpu.enqueue_indirect_dma source(%dma_start3A_252 : memref<10240x32xi32, #tpu.memory_space<hbm>>) target(%dma_start3A_246 : memref<128x32xi32, #tpu.memory_space<vmem>>) offsets(%dma_start3A_249 : memref<128xi32, #tpu.memory_space<vmem>>) semaphore(%arg19 : memref<!tpu.dma_semaphore, #tpu.memory_space<semaphore_mem>>)
      %mul3A_253 = arith.constant 4 : i32
      %mul3A_254 = arith.muli %scan3A_134, %mul3A_253 : i32
      %add3A_255 = arith.constant 2 : i32
      %add3A_256 = arith.addi %mul3A_254, %add3A_255 : i32
      %add3A_257 = arith.constant 4 : i32
      %add3A_258 = arith.addi %add3A_256, %add3A_257 : i32
      %min3A_259 = arith.constant 79 : i32
      %min3A_260 = arith.minsi %add3A_258, %min3A_259 : i32
      %dma_wait3A_261 = arith.constant 2 : i32
      %dma_wait3A_262 = arith.constant 0 : i32
      %dma_wait3A_263 = arith.constant 0 : i32
      %dma_wait3A_264 = tpu.memref_slice %arg10[%dma_wait3A_261, %dma_wait3A_262, %dma_wait3A_263] : memref<4x128x32xi32, #tpu.memory_space<vmem>> -> memref<1x128x32xi32, #tpu.memory_space<vmem>>
      %dma_wait3A_265 = tpu.memref_squeeze %dma_wait3A_264 : memref<1x128x32xi32, #tpu.memory_space<vmem>> -> memref<128x32xi32, #tpu.memory_space<vmem>>
      %dma_wait3A_266 = arith.constant 0 : i32
      %dma_wait3A_267 = tpu.memref_slice %arg8[%add3A_256, %dma_wait3A_266] : memref<80x128xi32, #tpu.memory_space<vmem>> -> memref<1x128xi32, #tpu.memory_space<vmem>>
      %dma_wait3A_268 = tpu.memref_squeeze %dma_wait3A_267 : memref<1x128xi32, #tpu.memory_space<vmem>> -> memref<128xi32, #tpu.memory_space<vmem>>
      %dma_wait3A_269 = arith.constant 0 : i32
      %dma_wait3A_270 = arith.constant 0 : i32
      %dma_wait3A_271 = tpu.memref_slice %arg2[%dma_wait3A_269, %dma_wait3A_270] : memref<10240x32xi32, #tpu.memory_space<hbm>> -> memref<10240x32xi32, #tpu.memory_space<hbm>>
      tpu.wait_indirect_dma semaphore(%arg20 : memref<!tpu.dma_semaphore, #tpu.memory_space<semaphore_mem>>) src(%dma_wait3A_271 : memref<10240x32xi32, #tpu.memory_space<hbm>>) dst(%dma_wait3A_265 : memref<128x32xi32, #tpu.memory_space<vmem>>)
      %get3A_272 = arith.index_cast %add3A_256 : i32 to index
      %get3A_273 = arith.constant 0 : index
      %get3A_274 = tpu.vector_load %arg9[%get3A_272, %get3A_273] {strides = array<i32>} : memref<80x128xi32, #tpu.memory_space<vmem>>, vector<16xi32>,
      tpu.vector_store_idx %arg12[%get3A_274], %broadcast_in_dim3A_12 {add = true} : memref<10240xf32, #tpu.memory_space<vmem>>[vector<16xi32>], vector<16xf32>,
      %get3A_275 = arith.index_cast %add3A_256 : i32 to index
      %get3A_276 = arith.constant 16 : index
      %get3A_277 = tpu.vector_load %arg9[%get3A_275, %get3A_276] {strides = array<i32>} : memref<80x128xi32, #tpu.memory_space<vmem>>, vector<16xi32>,
      tpu.vector_store_idx %arg12[%get3A_277], %broadcast_in_dim3A_12 {add = true} : memref<10240xf32, #tpu.memory_space<vmem>>[vector<16xi32>], vector<16xf32>,
      %get3A_278 = arith.index_cast %add3A_256 : i32 to index
      %get3A_279 = arith.constant 32 : index
      %get3A_280 = tpu.vector_load %arg9[%get3A_278, %get3A_279] {strides = array<i32>} : memref<80x128xi32, #tpu.memory_space<vmem>>, vector<16xi32>,
      tpu.vector_store_idx %arg12[%get3A_280], %broadcast_in_dim3A_12 {add = true} : memref<10240xf32, #tpu.memory_space<vmem>>[vector<16xi32>], vector<16xf32>,
      %get3A_281 = arith.index_cast %add3A_256 : i32 to index
      %get3A_282 = arith.constant 48 : index
      %get3A_283 = tpu.vector_load %arg9[%get3A_281, %get3A_282] {strides = array<i32>} : memref<80x128xi32, #tpu.memory_space<vmem>>, vector<16xi32>,
      tpu.vector_store_idx %arg12[%get3A_283], %broadcast_in_dim3A_12 {add = true} : memref<10240xf32, #tpu.memory_space<vmem>>[vector<16xi32>], vector<16xf32>,
      %get3A_284 = arith.index_cast %add3A_256 : i32 to index
      %get3A_285 = arith.constant 64 : index
      %get3A_286 = tpu.vector_load %arg9[%get3A_284, %get3A_285] {strides = array<i32>} : memref<80x128xi32, #tpu.memory_space<vmem>>, vector<16xi32>,
      tpu.vector_store_idx %arg12[%get3A_286], %broadcast_in_dim3A_12 {add = true} : memref<10240xf32, #tpu.memory_space<vmem>>[vector<16xi32>], vector<16xf32>,
      %get3A_287 = arith.index_cast %add3A_256 : i32 to index
      %get3A_288 = arith.constant 80 : index
      %get3A_289 = tpu.vector_load %arg9[%get3A_287, %get3A_288] {strides = array<i32>} : memref<80x128xi32, #tpu.memory_space<vmem>>, vector<16xi32>,
      tpu.vector_store_idx %arg12[%get3A_289], %broadcast_in_dim3A_12 {add = true} : memref<10240xf32, #tpu.memory_space<vmem>>[vector<16xi32>], vector<16xf32>,
      %get3A_290 = arith.index_cast %add3A_256 : i32 to index
      %get3A_291 = arith.constant 96 : index
      %get3A_292 = tpu.vector_load %arg9[%get3A_290, %get3A_291] {strides = array<i32>} : memref<80x128xi32, #tpu.memory_space<vmem>>, vector<16xi32>,
      tpu.vector_store_idx %arg12[%get3A_292], %broadcast_in_dim3A_12 {add = true} : memref<10240xf32, #tpu.memory_space<vmem>>[vector<16xi32>], vector<16xf32>,
      %get3A_293 = arith.index_cast %add3A_256 : i32 to index
      %get3A_294 = arith.constant 112 : index
      %get3A_295 = tpu.vector_load %arg9[%get3A_293, %get3A_294] {strides = array<i32>} : memref<80x128xi32, #tpu.memory_space<vmem>>, vector<16xi32>,
      tpu.vector_store_idx %arg12[%get3A_295], %broadcast_in_dim3A_12 {add = true} : memref<10240xf32, #tpu.memory_space<vmem>>[vector<16xi32>], vector<16xf32>,
      %scan3A_296 = arith.constant 0 : i32
      %scan3A_297 = arith.constant 0 : i32
      %scan3A_298 = arith.constant 128 : i32
      %scan3A_299 = arith.addi %scan3A_297, %scan3A_298 : i32
      %scan3A_300 = arith.constant 1 : i32
      scf.for %scan3A_373 = %scan3A_297 to %scan3A_299 step %scan3A_300  : i32 {
        %get3A_374 = arith.constant 2 : i32
        %get3A_375 = arith.index_cast %get3A_374 : i32 to index
        %get3A_376 = arith.index_cast %scan3A_373 : i32 to index
        %get3A_377 = arith.constant 0 : index
        %get3A_378 = tpu.vector_load %arg10[%get3A_375, %get3A_376, %get3A_377] {strides = array<i32>} : memref<4x128x32xi32, #tpu.memory_space<vmem>>, vector<16xi32>,
        %and3A = arith.constant -65536 : i32
        %and3A_379 = vector.broadcast %and3A : i32 to vector<16xi32>
        %and3A_380 = arith.andi %get3A_378, %and3A_379 : vector<16xi32>
        %bitcast_convert_type3A = tpu.bitcast %and3A_380 : vector<16xi32> -> vector<16xf32>
        %swap3A = arith.index_cast %scan3A_373 : i32 to index
        %swap3A_381 = arith.constant 0 : index
        %swap3A_382 = tpu.vector_load %arg11[%swap3A, %swap3A_381] {strides = array<i32>} : memref<128x64xf32, #tpu.memory_space<vmem>>, vector<16xf32>,
        tpu.vector_store %arg11[%swap3A, %swap3A_381], %bitcast_convert_type3A {strides = array<i32>} : memref<128x64xf32, #tpu.memory_space<vmem>>, vector<16xf32>,
        %shift_left3A = arith.constant 16 : i32
        %shift_left3A_383 = vector.broadcast %shift_left3A : i32 to vector<16xi32>
        %shift_left3A_384 = arith.shli %get3A_378, %shift_left3A_383 : vector<16xi32>
        %bitcast_convert_type3A_385 = tpu.bitcast %shift_left3A_384 : vector<16xi32> -> vector<16xf32>
        %swap3A_386 = arith.index_cast %scan3A_373 : i32 to index
        %swap3A_387 = arith.constant 32 : index
        %swap3A_388 = tpu.vector_load %arg11[%swap3A_386, %swap3A_387] {strides = array<i32>} : memref<128x64xf32, #tpu.memory_space<vmem>>, vector<16xf32>,
        tpu.vector_store %arg11[%swap3A_386, %swap3A_387], %bitcast_convert_type3A_385 {strides = array<i32>} : memref<128x64xf32, #tpu.memory_space<vmem>>, vector<16xf32>,
        %get3A_389 = arith.constant 2 : i32
        %get3A_390 = arith.index_cast %get3A_389 : i32 to index
        %get3A_391 = arith.index_cast %scan3A_373 : i32 to index
        %get3A_392 = arith.constant 16 : index
        %get3A_393 = tpu.vector_load %arg10[%get3A_390, %get3A_391, %get3A_392] {strides = array<i32>} : memref<4x128x32xi32, #tpu.memory_space<vmem>>, vector<16xi32>,
        %and3A_394 = arith.constant -65536 : i32
        %and3A_395 = vector.broadcast %and3A_394 : i32 to vector<16xi32>
        %and3A_396 = arith.andi %get3A_393, %and3A_395 : vector<16xi32>
        %bitcast_convert_type3A_397 = tpu.bitcast %and3A_396 : vector<16xi32> -> vector<16xf32>
        %swap3A_398 = arith.index_cast %scan3A_373 : i32 to index
        %swap3A_399 = arith.constant 16 : index
        %swap3A_400 = tpu.vector_load %arg11[%swap3A_398, %swap3A_399] {strides = array<i32>} : memref<128x64xf32, #tpu.memory_space<vmem>>, vector<16xf32>,
        tpu.vector_store %arg11[%swap3A_398, %swap3A_399], %bitcast_convert_type3A_397 {strides = array<i32>} : memref<128x64xf32, #tpu.memory_space<vmem>>, vector<16xf32>,
        %shift_left3A_401 = arith.constant 16 : i32
        %shift_left3A_402 = vector.broadcast %shift_left3A_401 : i32 to vector<16xi32>
        %shift_left3A_403 = arith.shli %get3A_393, %shift_left3A_402 : vector<16xi32>
        %bitcast_convert_type3A_404 = tpu.bitcast %shift_left3A_403 : vector<16xi32> -> vector<16xf32>
        %swap3A_405 = arith.index_cast %scan3A_373 : i32 to index
        %swap3A_406 = arith.constant 48 : index
        %swap3A_407 = tpu.vector_load %arg11[%swap3A_405, %swap3A_406] {strides = array<i32>} : memref<128x64xf32, #tpu.memory_space<vmem>>, vector<16xf32>,
        tpu.vector_store %arg11[%swap3A_405, %swap3A_406], %bitcast_convert_type3A_404 {strides = array<i32>} : memref<128x64xf32, #tpu.memory_space<vmem>>, vector<16xf32>,
      }
      %scan3A_301 = arith.constant 128 : i32
      "tpu.region"() ({
        %run_scoped3A = tpu.sem_alloc : memref<!tpu.dma_semaphore, #tpu.memory_space<semaphore_mem>>
        %dma_start3A_373 = arith.constant 0 : i32
        %dma_start3A_374 = tpu.memref_slice %arg9[%add3A_256, %dma_start3A_373] : memref<80x128xi32, #tpu.memory_space<vmem>> -> memref<1x128xi32, #tpu.memory_space<vmem>>
        %dma_start3A_375 = tpu.memref_squeeze %dma_start3A_374 : memref<1x128xi32, #tpu.memory_space<vmem>> -> memref<128xi32, #tpu.memory_space<vmem>>
        %dma_start3A_376 = arith.constant 0 : i32
        %dma_start3A_377 = arith.constant 0 : i32
        %dma_start3A_378 = tpu.memref_slice %arg13[%dma_start3A_376, %dma_start3A_377] : memref<10240x64xf32, #tpu.memory_space<vmem_shared>> -> memref<10240x64xf32, #tpu.memory_space<vmem_shared>>
        tpu.enqueue_indirect_dma source(%arg11 : memref<128x64xf32, #tpu.memory_space<vmem>>) target(%dma_start3A_378 : memref<10240x64xf32, #tpu.memory_space<vmem_shared>>) offsets(%dma_start3A_375 : memref<128xi32, #tpu.memory_space<vmem>>) semaphore(%run_scoped3A : memref<!tpu.dma_semaphore, #tpu.memory_space<semaphore_mem>>) {add = true}
        %dma_wait3A_379 = arith.constant 0 : i32
        %dma_wait3A_380 = tpu.memref_slice %arg9[%add3A_256, %dma_wait3A_379] : memref<80x128xi32, #tpu.memory_space<vmem>> -> memref<1x128xi32, #tpu.memory_space<vmem>>
        %dma_wait3A_381 = tpu.memref_squeeze %dma_wait3A_380 : memref<1x128xi32, #tpu.memory_space<vmem>> -> memref<128xi32, #tpu.memory_space<vmem>>
        %dma_wait3A_382 = arith.constant 0 : i32
        %dma_wait3A_383 = arith.constant 0 : i32
        %dma_wait3A_384 = tpu.memref_slice %arg13[%dma_wait3A_382, %dma_wait3A_383] : memref<10240x64xf32, #tpu.memory_space<vmem_shared>> -> memref<10240x64xf32, #tpu.memory_space<vmem_shared>>
        tpu.wait_indirect_dma semaphore(%run_scoped3A : memref<!tpu.dma_semaphore, #tpu.memory_space<semaphore_mem>>) src(%arg11 : memref<128x64xf32, #tpu.memory_space<vmem>>) dst(%dma_wait3A_384 : memref<10240x64xf32, #tpu.memory_space<vmem_shared>>)
        tpu.yield
      }) : () -> ()
      %dma_start3A_302 = arith.constant 2 : i32
      %dma_start3A_303 = arith.constant 0 : i32
      %dma_start3A_304 = arith.constant 0 : i32
      %dma_start3A_305 = tpu.memref_slice %arg10[%dma_start3A_302, %dma_start3A_303, %dma_start3A_304] : memref<4x128x32xi32, #tpu.memory_space<vmem>> -> memref<1x128x32xi32, #tpu.memory_space<vmem>>
      %dma_start3A_306 = tpu.memref_squeeze %dma_start3A_305 : memref<1x128x32xi32, #tpu.memory_space<vmem>> -> memref<128x32xi32, #tpu.memory_space<vmem>>
      %dma_start3A_307 = arith.constant 0 : i32
      %dma_start3A_308 = tpu.memref_slice %arg8[%min3A_260, %dma_start3A_307] : memref<80x128xi32, #tpu.memory_space<vmem>> -> memref<1x128xi32, #tpu.memory_space<vmem>>
      %dma_start3A_309 = tpu.memref_squeeze %dma_start3A_308 : memref<1x128xi32, #tpu.memory_space<vmem>> -> memref<128xi32, #tpu.memory_space<vmem>>
      %dma_start3A_310 = arith.constant 0 : i32
      %dma_start3A_311 = arith.constant 0 : i32
      %dma_start3A_312 = tpu.memref_slice %arg2[%dma_start3A_310, %dma_start3A_311] : memref<10240x32xi32, #tpu.memory_space<hbm>> -> memref<10240x32xi32, #tpu.memory_space<hbm>>
      tpu.enqueue_indirect_dma source(%dma_start3A_312 : memref<10240x32xi32, #tpu.memory_space<hbm>>) target(%dma_start3A_306 : memref<128x32xi32, #tpu.memory_space<vmem>>) offsets(%dma_start3A_309 : memref<128xi32, #tpu.memory_space<vmem>>) semaphore(%arg20 : memref<!tpu.dma_semaphore, #tpu.memory_space<semaphore_mem>>)
      %mul3A_313 = arith.constant 4 : i32
      %mul3A_314 = arith.muli %scan3A_134, %mul3A_313 : i32
      %add3A_315 = arith.constant 3 : i32
      %add3A_316 = arith.addi %mul3A_314, %add3A_315 : i32
      %add3A_317 = arith.constant 4 : i32
      %add3A_318 = arith.addi %add3A_316, %add3A_317 : i32
      %min3A_319 = arith.constant 79 : i32
      %min3A_320 = arith.minsi %add3A_318, %min3A_319 : i32
      %dma_wait3A_321 = arith.constant 3 : i32
      %dma_wait3A_322 = arith.constant 0 : i32
      %dma_wait3A_323 = arith.constant 0 : i32
      %dma_wait3A_324 = tpu.memref_slice %arg10[%dma_wait3A_321, %dma_wait3A_322, %dma_wait3A_323] : memref<4x128x32xi32, #tpu.memory_space<vmem>> -> memref<1x128x32xi32, #tpu.memory_space<vmem>>
      %dma_wait3A_325 = tpu.memref_squeeze %dma_wait3A_324 : memref<1x128x32xi32, #tpu.memory_space<vmem>> -> memref<128x32xi32, #tpu.memory_space<vmem>>
      %dma_wait3A_326 = arith.constant 0 : i32
      %dma_wait3A_327 = tpu.memref_slice %arg8[%add3A_316, %dma_wait3A_326] : memref<80x128xi32, #tpu.memory_space<vmem>> -> memref<1x128xi32, #tpu.memory_space<vmem>>
      %dma_wait3A_328 = tpu.memref_squeeze %dma_wait3A_327 : memref<1x128xi32, #tpu.memory_space<vmem>> -> memref<128xi32, #tpu.memory_space<vmem>>
      %dma_wait3A_329 = arith.constant 0 : i32
      %dma_wait3A_330 = arith.constant 0 : i32
      %dma_wait3A_331 = tpu.memref_slice %arg2[%dma_wait3A_329, %dma_wait3A_330] : memref<10240x32xi32, #tpu.memory_space<hbm>> -> memref<10240x32xi32, #tpu.memory_space<hbm>>
      tpu.wait_indirect_dma semaphore(%arg21 : memref<!tpu.dma_semaphore, #tpu.memory_space<semaphore_mem>>) src(%dma_wait3A_331 : memref<10240x32xi32, #tpu.memory_space<hbm>>) dst(%dma_wait3A_325 : memref<128x32xi32, #tpu.memory_space<vmem>>)
      %get3A_332 = arith.index_cast %add3A_316 : i32 to index
      %get3A_333 = arith.constant 0 : index
      %get3A_334 = tpu.vector_load %arg9[%get3A_332, %get3A_333] {strides = array<i32>} : memref<80x128xi32, #tpu.memory_space<vmem>>, vector<16xi32>,
      tpu.vector_store_idx %arg12[%get3A_334], %broadcast_in_dim3A_12 {add = true} : memref<10240xf32, #tpu.memory_space<vmem>>[vector<16xi32>], vector<16xf32>,
      %get3A_335 = arith.index_cast %add3A_316 : i32 to index
      %get3A_336 = arith.constant 16 : index
      %get3A_337 = tpu.vector_load %arg9[%get3A_335, %get3A_336] {strides = array<i32>} : memref<80x128xi32, #tpu.memory_space<vmem>>, vector<16xi32>,
      tpu.vector_store_idx %arg12[%get3A_337], %broadcast_in_dim3A_12 {add = true} : memref<10240xf32, #tpu.memory_space<vmem>>[vector<16xi32>], vector<16xf32>,
      %get3A_338 = arith.index_cast %add3A_316 : i32 to index
      %get3A_339 = arith.constant 32 : index
      %get3A_340 = tpu.vector_load %arg9[%get3A_338, %get3A_339] {strides = array<i32>} : memref<80x128xi32, #tpu.memory_space<vmem>>, vector<16xi32>,
      tpu.vector_store_idx %arg12[%get3A_340], %broadcast_in_dim3A_12 {add = true} : memref<10240xf32, #tpu.memory_space<vmem>>[vector<16xi32>], vector<16xf32>,
      %get3A_341 = arith.index_cast %add3A_316 : i32 to index
      %get3A_342 = arith.constant 48 : index
      %get3A_343 = tpu.vector_load %arg9[%get3A_341, %get3A_342] {strides = array<i32>} : memref<80x128xi32, #tpu.memory_space<vmem>>, vector<16xi32>,
      tpu.vector_store_idx %arg12[%get3A_343], %broadcast_in_dim3A_12 {add = true} : memref<10240xf32, #tpu.memory_space<vmem>>[vector<16xi32>], vector<16xf32>,
      %get3A_344 = arith.index_cast %add3A_316 : i32 to index
      %get3A_345 = arith.constant 64 : index
      %get3A_346 = tpu.vector_load %arg9[%get3A_344, %get3A_345] {strides = array<i32>} : memref<80x128xi32, #tpu.memory_space<vmem>>, vector<16xi32>,
      tpu.vector_store_idx %arg12[%get3A_346], %broadcast_in_dim3A_12 {add = true} : memref<10240xf32, #tpu.memory_space<vmem>>[vector<16xi32>], vector<16xf32>,
      %get3A_347 = arith.index_cast %add3A_316 : i32 to index
      %get3A_348 = arith.constant 80 : index
      %get3A_349 = tpu.vector_load %arg9[%get3A_347, %get3A_348] {strides = array<i32>} : memref<80x128xi32, #tpu.memory_space<vmem>>, vector<16xi32>,
      tpu.vector_store_idx %arg12[%get3A_349], %broadcast_in_dim3A_12 {add = true} : memref<10240xf32, #tpu.memory_space<vmem>>[vector<16xi32>], vector<16xf32>,
      %get3A_350 = arith.index_cast %add3A_316 : i32 to index
      %get3A_351 = arith.constant 96 : index
      %get3A_352 = tpu.vector_load %arg9[%get3A_350, %get3A_351] {strides = array<i32>} : memref<80x128xi32, #tpu.memory_space<vmem>>, vector<16xi32>,
      tpu.vector_store_idx %arg12[%get3A_352], %broadcast_in_dim3A_12 {add = true} : memref<10240xf32, #tpu.memory_space<vmem>>[vector<16xi32>], vector<16xf32>,
      %get3A_353 = arith.index_cast %add3A_316 : i32 to index
      %get3A_354 = arith.constant 112 : index
      %get3A_355 = tpu.vector_load %arg9[%get3A_353, %get3A_354] {strides = array<i32>} : memref<80x128xi32, #tpu.memory_space<vmem>>, vector<16xi32>,
      tpu.vector_store_idx %arg12[%get3A_355], %broadcast_in_dim3A_12 {add = true} : memref<10240xf32, #tpu.memory_space<vmem>>[vector<16xi32>], vector<16xf32>,
      %scan3A_356 = arith.constant 0 : i32
      %scan3A_357 = arith.constant 0 : i32
      %scan3A_358 = arith.constant 128 : i32
      %scan3A_359 = arith.addi %scan3A_357, %scan3A_358 : i32
      %scan3A_360 = arith.constant 1 : i32
      scf.for %scan3A_373 = %scan3A_357 to %scan3A_359 step %scan3A_360  : i32 {
        %get3A_374 = arith.constant 3 : i32
        %get3A_375 = arith.index_cast %get3A_374 : i32 to index
        %get3A_376 = arith.index_cast %scan3A_373 : i32 to index
        %get3A_377 = arith.constant 0 : index
        %get3A_378 = tpu.vector_load %arg10[%get3A_375, %get3A_376, %get3A_377] {strides = array<i32>} : memref<4x128x32xi32, #tpu.memory_space<vmem>>, vector<16xi32>,
        %and3A = arith.constant -65536 : i32
        %and3A_379 = vector.broadcast %and3A : i32 to vector<16xi32>
        %and3A_380 = arith.andi %get3A_378, %and3A_379 : vector<16xi32>
        %bitcast_convert_type3A = tpu.bitcast %and3A_380 : vector<16xi32> -> vector<16xf32>
        %swap3A = arith.index_cast %scan3A_373 : i32 to index
        %swap3A_381 = arith.constant 0 : index
        %swap3A_382 = tpu.vector_load %arg11[%swap3A, %swap3A_381] {strides = array<i32>} : memref<128x64xf32, #tpu.memory_space<vmem>>, vector<16xf32>,
        tpu.vector_store %arg11[%swap3A, %swap3A_381], %bitcast_convert_type3A {strides = array<i32>} : memref<128x64xf32, #tpu.memory_space<vmem>>, vector<16xf32>,
        %shift_left3A = arith.constant 16 : i32
        %shift_left3A_383 = vector.broadcast %shift_left3A : i32 to vector<16xi32>
        %shift_left3A_384 = arith.shli %get3A_378, %shift_left3A_383 : vector<16xi32>
        %bitcast_convert_type3A_385 = tpu.bitcast %shift_left3A_384 : vector<16xi32> -> vector<16xf32>
        %swap3A_386 = arith.index_cast %scan3A_373 : i32 to index
        %swap3A_387 = arith.constant 32 : index
        %swap3A_388 = tpu.vector_load %arg11[%swap3A_386, %swap3A_387] {strides = array<i32>} : memref<128x64xf32, #tpu.memory_space<vmem>>, vector<16xf32>,
        tpu.vector_store %arg11[%swap3A_386, %swap3A_387], %bitcast_convert_type3A_385 {strides = array<i32>} : memref<128x64xf32, #tpu.memory_space<vmem>>, vector<16xf32>,
        %get3A_389 = arith.constant 3 : i32
        %get3A_390 = arith.index_cast %get3A_389 : i32 to index
        %get3A_391 = arith.index_cast %scan3A_373 : i32 to index
        %get3A_392 = arith.constant 16 : index
        %get3A_393 = tpu.vector_load %arg10[%get3A_390, %get3A_391, %get3A_392] {strides = array<i32>} : memref<4x128x32xi32, #tpu.memory_space<vmem>>, vector<16xi32>,
        %and3A_394 = arith.constant -65536 : i32
        %and3A_395 = vector.broadcast %and3A_394 : i32 to vector<16xi32>
        %and3A_396 = arith.andi %get3A_393, %and3A_395 : vector<16xi32>
        %bitcast_convert_type3A_397 = tpu.bitcast %and3A_396 : vector<16xi32> -> vector<16xf32>
        %swap3A_398 = arith.index_cast %scan3A_373 : i32 to index
        %swap3A_399 = arith.constant 16 : index
        %swap3A_400 = tpu.vector_load %arg11[%swap3A_398, %swap3A_399] {strides = array<i32>} : memref<128x64xf32, #tpu.memory_space<vmem>>, vector<16xf32>,
        tpu.vector_store %arg11[%swap3A_398, %swap3A_399], %bitcast_convert_type3A_397 {strides = array<i32>} : memref<128x64xf32, #tpu.memory_space<vmem>>, vector<16xf32>,
        %shift_left3A_401 = arith.constant 16 : i32
        %shift_left3A_402 = vector.broadcast %shift_left3A_401 : i32 to vector<16xi32>
        %shift_left3A_403 = arith.shli %get3A_393, %shift_left3A_402 : vector<16xi32>
        %bitcast_convert_type3A_404 = tpu.bitcast %shift_left3A_403 : vector<16xi32> -> vector<16xf32>
        %swap3A_405 = arith.index_cast %scan3A_373 : i32 to index
        %swap3A_406 = arith.constant 48 : index
        %swap3A_407 = tpu.vector_load %arg11[%swap3A_405, %swap3A_406] {strides = array<i32>} : memref<128x64xf32, #tpu.memory_space<vmem>>, vector<16xf32>,
        tpu.vector_store %arg11[%swap3A_405, %swap3A_406], %bitcast_convert_type3A_404 {strides = array<i32>} : memref<128x64xf32, #tpu.memory_space<vmem>>, vector<16xf32>,
      }
      %scan3A_361 = arith.constant 128 : i32
      "tpu.region"() ({
        %run_scoped3A = tpu.sem_alloc : memref<!tpu.dma_semaphore, #tpu.memory_space<semaphore_mem>>
        %dma_start3A_373 = arith.constant 0 : i32
        %dma_start3A_374 = tpu.memref_slice %arg9[%add3A_316, %dma_start3A_373] : memref<80x128xi32, #tpu.memory_space<vmem>> -> memref<1x128xi32, #tpu.memory_space<vmem>>
        %dma_start3A_375 = tpu.memref_squeeze %dma_start3A_374 : memref<1x128xi32, #tpu.memory_space<vmem>> -> memref<128xi32, #tpu.memory_space<vmem>>
        %dma_start3A_376 = arith.constant 0 : i32
        %dma_start3A_377 = arith.constant 0 : i32
        %dma_start3A_378 = tpu.memref_slice %arg13[%dma_start3A_376, %dma_start3A_377] : memref<10240x64xf32, #tpu.memory_space<vmem_shared>> -> memref<10240x64xf32, #tpu.memory_space<vmem_shared>>
        tpu.enqueue_indirect_dma source(%arg11 : memref<128x64xf32, #tpu.memory_space<vmem>>) target(%dma_start3A_378 : memref<10240x64xf32, #tpu.memory_space<vmem_shared>>) offsets(%dma_start3A_375 : memref<128xi32, #tpu.memory_space<vmem>>) semaphore(%run_scoped3A : memref<!tpu.dma_semaphore, #tpu.memory_space<semaphore_mem>>) {add = true}
        %dma_wait3A_379 = arith.constant 0 : i32
        %dma_wait3A_380 = tpu.memref_slice %arg9[%add3A_316, %dma_wait3A_379] : memref<80x128xi32, #tpu.memory_space<vmem>> -> memref<1x128xi32, #tpu.memory_space<vmem>>
        %dma_wait3A_381 = tpu.memref_squeeze %dma_wait3A_380 : memref<1x128xi32, #tpu.memory_space<vmem>> -> memref<128xi32, #tpu.memory_space<vmem>>
        %dma_wait3A_382 = arith.constant 0 : i32
        %dma_wait3A_383 = arith.constant 0 : i32
        %dma_wait3A_384 = tpu.memref_slice %arg13[%dma_wait3A_382, %dma_wait3A_383] : memref<10240x64xf32, #tpu.memory_space<vmem_shared>> -> memref<10240x64xf32, #tpu.memory_space<vmem_shared>>
        tpu.wait_indirect_dma semaphore(%run_scoped3A : memref<!tpu.dma_semaphore, #tpu.memory_space<semaphore_mem>>) src(%arg11 : memref<128x64xf32, #tpu.memory_space<vmem>>) dst(%dma_wait3A_384 : memref<10240x64xf32, #tpu.memory_space<vmem_shared>>)
        tpu.yield
      }) : () -> ()
      %dma_start3A_362 = arith.constant 3 : i32
      %dma_start3A_363 = arith.constant 0 : i32
      %dma_start3A_364 = arith.constant 0 : i32
      %dma_start3A_365 = tpu.memref_slice %arg10[%dma_start3A_362, %dma_start3A_363, %dma_start3A_364] : memref<4x128x32xi32, #tpu.memory_space<vmem>> -> memref<1x128x32xi32, #tpu.memory_space<vmem>>
      %dma_start3A_366 = tpu.memref_squeeze %dma_start3A_365 : memref<1x128x32xi32, #tpu.memory_space<vmem>> -> memref<128x32xi32, #tpu.memory_space<vmem>>
      %dma_start3A_367 = arith.constant 0 : i32
      %dma_start3A_368 = tpu.memref_slice %arg8[%min3A_320, %dma_start3A_367] : memref<80x128xi32, #tpu.memory_space<vmem>> -> memref<1x128xi32, #tpu.memory_space<vmem>>
      %dma_start3A_369 = tpu.memref_squeeze %dma_start3A_368 : memref<1x128xi32, #tpu.memory_space<vmem>> -> memref<128xi32, #tpu.memory_space<vmem>>
      %dma_start3A_370 = arith.constant 0 : i32
      %dma_start3A_371 = arith.constant 0 : i32
      %dma_start3A_372 = tpu.memref_slice %arg2[%dma_start3A_370, %dma_start3A_371] : memref<10240x32xi32, #tpu.memory_space<hbm>> -> memref<10240x32xi32, #tpu.memory_space<hbm>>
      tpu.enqueue_indirect_dma source(%dma_start3A_372 : memref<10240x32xi32, #tpu.memory_space<hbm>>) target(%dma_start3A_366 : memref<128x32xi32, #tpu.memory_space<vmem>>) offsets(%dma_start3A_369 : memref<128xi32, #tpu.memory_space<vmem>>) semaphore(%arg21 : memref<!tpu.dma_semaphore, #tpu.memory_space<semaphore_mem>>)
    }
    %scan3A_80 = arith.constant 20 : i32
    %dma_wait3A_81 = arith.constant 0 : i32
    %dma_wait3A_82 = arith.constant 0 : i32
    "tpu.trace_stop"() : () -> ()
    "tpu.trace_start"() <{level = 10 : i32, message = "sc_drain"}> : () -> ()
    %dma_wait3A_83 = arith.constant 0 : i32
    %dma_wait3A_84 = arith.constant 0 : i32
    %dma_wait3A_85 = tpu.memref_slice %arg10[%dma_wait3A_82, %dma_wait3A_83, %dma_wait3A_84] : memref<4x128x32xi32, #tpu.memory_space<vmem>> -> memref<1x128x32xi32, #tpu.memory_space<vmem>>
    %dma_wait3A_86 = tpu.memref_squeeze %dma_wait3A_85 : memref<1x128x32xi32, #tpu.memory_space<vmem>> -> memref<128x32xi32, #tpu.memory_space<vmem>>
    %dma_wait3A_87 = arith.constant 0 : i32
    %dma_wait3A_88 = tpu.memref_slice %arg8[%dma_wait3A_81, %dma_wait3A_87] : memref<80x128xi32, #tpu.memory_space<vmem>> -> memref<1x128xi32, #tpu.memory_space<vmem>>
    %dma_wait3A_89 = tpu.memref_squeeze %dma_wait3A_88 : memref<1x128xi32, #tpu.memory_space<vmem>> -> memref<128xi32, #tpu.memory_space<vmem>>
    %dma_wait3A_90 = arith.constant 0 : i32
    %dma_wait3A_91 = arith.constant 0 : i32
    %dma_wait3A_92 = tpu.memref_slice %arg2[%dma_wait3A_90, %dma_wait3A_91] : memref<10240x32xi32, #tpu.memory_space<hbm>> -> memref<10240x32xi32, #tpu.memory_space<hbm>>
    tpu.wait_indirect_dma semaphore(%arg18 : memref<!tpu.dma_semaphore, #tpu.memory_space<semaphore_mem>>) src(%dma_wait3A_92 : memref<10240x32xi32, #tpu.memory_space<hbm>>) dst(%dma_wait3A_86 : memref<128x32xi32, #tpu.memory_space<vmem>>)
    %dma_wait3A_93 = arith.constant 1 : i32
    %dma_wait3A_94 = arith.constant 1 : i32
    %dma_wait3A_95 = arith.constant 0 : i32
    %dma_wait3A_96 = arith.constant 0 : i32
    %dma_wait3A_97 = tpu.memref_slice %arg10[%dma_wait3A_94, %dma_wait3A_95, %dma_wait3A_96] : memref<4x128x32xi32, #tpu.memory_space<vmem>> -> memref<1x128x32xi32, #tpu.memory_space<vmem>>
    %dma_wait3A_98 = tpu.memref_squeeze %dma_wait3A_97 : memref<1x128x32xi32, #tpu.memory_space<vmem>> -> memref<128x32xi32, #tpu.memory_space<vmem>>
    %dma_wait3A_99 = arith.constant 0 : i32
    %dma_wait3A_100 = tpu.memref_slice %arg8[%dma_wait3A_93, %dma_wait3A_99] : memref<80x128xi32, #tpu.memory_space<vmem>> -> memref<1x128xi32, #tpu.memory_space<vmem>>
    %dma_wait3A_101 = tpu.memref_squeeze %dma_wait3A_100 : memref<1x128xi32, #tpu.memory_space<vmem>> -> memref<128xi32, #tpu.memory_space<vmem>>
    %dma_wait3A_102 = arith.constant 0 : i32
    %dma_wait3A_103 = arith.constant 0 : i32
    %dma_wait3A_104 = tpu.memref_slice %arg2[%dma_wait3A_102, %dma_wait3A_103] : memref<10240x32xi32, #tpu.memory_space<hbm>> -> memref<10240x32xi32, #tpu.memory_space<hbm>>
    tpu.wait_indirect_dma semaphore(%arg19 : memref<!tpu.dma_semaphore, #tpu.memory_space<semaphore_mem>>) src(%dma_wait3A_104 : memref<10240x32xi32, #tpu.memory_space<hbm>>) dst(%dma_wait3A_98 : memref<128x32xi32, #tpu.memory_space<vmem>>)
    %dma_wait3A_105 = arith.constant 2 : i32
    %dma_wait3A_106 = arith.constant 2 : i32
    %dma_wait3A_107 = arith.constant 0 : i32
    %dma_wait3A_108 = arith.constant 0 : i32
    %dma_wait3A_109 = tpu.memref_slice %arg10[%dma_wait3A_106, %dma_wait3A_107, %dma_wait3A_108] : memref<4x128x32xi32, #tpu.memory_space<vmem>> -> memref<1x128x32xi32, #tpu.memory_space<vmem>>
    %dma_wait3A_110 = tpu.memref_squeeze %dma_wait3A_109 : memref<1x128x32xi32, #tpu.memory_space<vmem>> -> memref<128x32xi32, #tpu.memory_space<vmem>>
    %dma_wait3A_111 = arith.constant 0 : i32
    %dma_wait3A_112 = tpu.memref_slice %arg8[%dma_wait3A_105, %dma_wait3A_111] : memref<80x128xi32, #tpu.memory_space<vmem>> -> memref<1x128xi32, #tpu.memory_space<vmem>>
    %dma_wait3A_113 = tpu.memref_squeeze %dma_wait3A_112 : memref<1x128xi32, #tpu.memory_space<vmem>> -> memref<128xi32, #tpu.memory_space<vmem>>
    %dma_wait3A_114 = arith.constant 0 : i32
    %dma_wait3A_115 = arith.constant 0 : i32
    %dma_wait3A_116 = tpu.memref_slice %arg2[%dma_wait3A_114, %dma_wait3A_115] : memref<10240x32xi32, #tpu.memory_space<hbm>> -> memref<10240x32xi32, #tpu.memory_space<hbm>>
    tpu.wait_indirect_dma semaphore(%arg20 : memref<!tpu.dma_semaphore, #tpu.memory_space<semaphore_mem>>) src(%dma_wait3A_116 : memref<10240x32xi32, #tpu.memory_space<hbm>>) dst(%dma_wait3A_110 : memref<128x32xi32, #tpu.memory_space<vmem>>)
    %dma_wait3A_117 = arith.constant 3 : i32
    %dma_wait3A_118 = arith.constant 3 : i32
    %dma_wait3A_119 = arith.constant 0 : i32
    %dma_wait3A_120 = arith.constant 0 : i32
    %dma_wait3A_121 = tpu.memref_slice %arg10[%dma_wait3A_118, %dma_wait3A_119, %dma_wait3A_120] : memref<4x128x32xi32, #tpu.memory_space<vmem>> -> memref<1x128x32xi32, #tpu.memory_space<vmem>>
    %dma_wait3A_122 = tpu.memref_squeeze %dma_wait3A_121 : memref<1x128x32xi32, #tpu.memory_space<vmem>> -> memref<128x32xi32, #tpu.memory_space<vmem>>
    %dma_wait3A_123 = arith.constant 0 : i32
    %dma_wait3A_124 = tpu.memref_slice %arg8[%dma_wait3A_117, %dma_wait3A_123] : memref<80x128xi32, #tpu.memory_space<vmem>> -> memref<1x128xi32, #tpu.memory_space<vmem>>
    %dma_wait3A_125 = tpu.memref_squeeze %dma_wait3A_124 : memref<1x128xi32, #tpu.memory_space<vmem>> -> memref<128xi32, #tpu.memory_space<vmem>>
    %dma_wait3A_126 = arith.constant 0 : i32
    %dma_wait3A_127 = arith.constant 0 : i32
    %dma_wait3A_128 = tpu.memref_slice %arg2[%dma_wait3A_126, %dma_wait3A_127] : memref<10240x32xi32, #tpu.memory_space<hbm>> -> memref<10240x32xi32, #tpu.memory_space<hbm>>
    tpu.wait_indirect_dma semaphore(%arg21 : memref<!tpu.dma_semaphore, #tpu.memory_space<semaphore_mem>>) src(%dma_wait3A_128 : memref<10240x32xi32, #tpu.memory_space<hbm>>) dst(%dma_wait3A_122 : memref<128x32xi32, #tpu.memory_space<vmem>>)
    "tpu.region"() ({
      %run_scoped3A = tpu.sem_alloc : memref<!tpu.dma_semaphore, #tpu.memory_space<semaphore_mem>>
      %dma_start3A_134 = arith.constant 0 : i32
      %dma_start3A_135 = tpu.memref_slice %arg7[%add3A, %dma_start3A_134] : memref<32x10240xf32, #tpu.memory_space<hbm>> -> memref<1x10240xf32, #tpu.memory_space<hbm>>
      %dma_start3A_136 = tpu.memref_squeeze %dma_start3A_135 : memref<1x10240xf32, #tpu.memory_space<hbm>> -> memref<10240xf32, #tpu.memory_space<hbm>>
      %dma_start3A_137 = arith.constant 0 : i32
      %dma_start3A_138 = tpu.memref_slice %arg7[%add3A, %dma_start3A_137] : memref<32x10240xf32, #tpu.memory_space<hbm>> -> memref<1x10240xf32, #tpu.memory_space<hbm>>
      %dma_start3A_139 = tpu.memref_squeeze %dma_start3A_138 : memref<1x10240xf32, #tpu.memory_space<hbm>> -> memref<10240xf32, #tpu.memory_space<hbm>>
      tpu.enqueue_dma source(%arg12 : memref<10240xf32, #tpu.memory_space<vmem>>) target(%dma_start3A_139 : memref<10240xf32, #tpu.memory_space<hbm>>) target_semaphore(%run_scoped3A : memref<!tpu.dma_semaphore, #tpu.memory_space<semaphore_mem>>)
      %dma_wait3A_140 = arith.constant 0 : i32
      %dma_wait3A_141 = tpu.memref_slice %arg7[%add3A, %dma_wait3A_140] : memref<32x10240xf32, #tpu.memory_space<hbm>> -> memref<1x10240xf32, #tpu.memory_space<hbm>>
      %dma_wait3A_142 = tpu.memref_squeeze %dma_wait3A_141 : memref<1x10240xf32, #tpu.memory_space<hbm>> -> memref<10240xf32, #tpu.memory_space<hbm>>
      %dma_wait3A_143 = arith.constant 0 : i32
      %dma_wait3A_144 = tpu.memref_slice %arg7[%add3A, %dma_wait3A_143] : memref<32x10240xf32, #tpu.memory_space<hbm>> -> memref<1x10240xf32, #tpu.memory_space<hbm>>
      %dma_wait3A_145 = tpu.memref_squeeze %dma_wait3A_144 : memref<1x10240xf32, #tpu.memory_space<hbm>> -> memref<10240xf32, #tpu.memory_space<hbm>>
      tpu.wait_dma2 semaphore(%run_scoped3A : memref<!tpu.dma_semaphore, #tpu.memory_space<semaphore_mem>>) src(%arg12 : memref<10240xf32, #tpu.memory_space<vmem>>) dst(%dma_wait3A_145 : memref<10240xf32, #tpu.memory_space<hbm>>)
      tpu.yield
    }) : () -> ()
    "tpu.trace_stop"() : () -> ()
    "tpu.trace_start"() <{level = 10 : i32, message = "sc_barrier1"}> : () -> ()
    %barrier3A_129 = arith.constant 0 : index
    tpu.barrier barrier_id(%barrier3A_129)
    "tpu.trace_stop"() : () -> ()
    "tpu.trace_start"() <{level = 10 : i32, message = "sc_dump"}> : () -> ()
    %mul3A_130 = arith.constant 640 : i32
    %mul3A_131 = arith.muli %arg1, %mul3A_130 : i32
    %mul3A_132 = arith.constant 640 : i32
    %mul3A_133 = arith.muli %arg1, %mul3A_132 : i32
    "tpu.region"() ({
      %run_scoped3A = tpu.sem_alloc : memref<!tpu.dma_semaphore, #tpu.memory_space<semaphore_mem>>
      %dma_start3A_134 = arith.constant 0 : i32
      %dma_start3A_135 = tpu.memref_slice %arg6[%arg0, %mul3A_133, %dma_start3A_134] : memref<2x10240x64xf32, #tpu.memory_space<hbm>> -> memref<1x640x64xf32, #tpu.memory_space<hbm>>
      %dma_start3A_136 = tpu.memref_squeeze %dma_start3A_135 : memref<1x640x64xf32, #tpu.memory_space<hbm>> -> memref<640x64xf32, #tpu.memory_space<hbm>>
      %dma_start3A_137 = arith.constant 0 : i32
      %dma_start3A_138 = tpu.memref_slice %arg13[%mul3A_131, %dma_start3A_137] : memref<10240x64xf32, #tpu.memory_space<vmem_shared>> -> memref<640x64xf32, #tpu.memory_space<vmem_shared>>
      tpu.enqueue_dma source(%dma_start3A_138 : memref<640x64xf32, #tpu.memory_space<vmem_shared>>) target(%dma_start3A_136 : memref<640x64xf32, #tpu.memory_space<hbm>>) target_semaphore(%run_scoped3A : memref<!tpu.dma_semaphore, #tpu.memory_space<semaphore_mem>>)
      %dma_wait3A_139 = arith.constant 0 : i32
      %dma_wait3A_140 = tpu.memref_slice %arg6[%arg0, %mul3A_133, %dma_wait3A_139] : memref<2x10240x64xf32, #tpu.memory_space<hbm>> -> memref<1x640x64xf32, #tpu.memory_space<hbm>>
      %dma_wait3A_141 = tpu.memref_squeeze %dma_wait3A_140 : memref<1x640x64xf32, #tpu.memory_space<hbm>> -> memref<640x64xf32, #tpu.memory_space<hbm>>
      %dma_wait3A_142 = arith.constant 0 : i32
      %dma_wait3A_143 = tpu.memref_slice %arg13[%mul3A_131, %dma_wait3A_142] : memref<10240x64xf32, #tpu.memory_space<vmem_shared>> -> memref<640x64xf32, #tpu.memory_space<vmem_shared>>
      tpu.wait_dma2 semaphore(%run_scoped3A : memref<!tpu.dma_semaphore, #tpu.memory_space<semaphore_mem>>) src(%dma_wait3A_143 : memref<640x64xf32, #tpu.memory_space<vmem_shared>>) dst(%dma_wait3A_141 : memref<640x64xf32, #tpu.memory_space<hbm>>)
      tpu.yield
    }) : () -> ()
    "tpu.trace_stop"() : () -> ()
    return
  }
}

module attributes {stable_mosaic.version = 14 : i64} {
  func.func @_proj_body(%arg0: i32, %arg1: memref<256x128xf32, #tpu.memory_space<vmem>>, %arg2: memref<128x64xf32, #tpu.memory_space<vmem>>, %arg3: memref<128x64xf32, #tpu.memory_space<vmem>>, %arg4: memref<256x32xi32, #tpu.memory_space<vmem>>, %arg5: memref<256x64xf32, #tpu.memory_space<vmem>>) attributes {dimension_semantics = [#tpu.dimension_semantics<arbitrary>], iteration_bounds = array<i64: 40>, scalar_prefetch = 0 : i64, scratch_operands = 0 : i64, tpu.core_type = #tpu.core_type<tc>, window_params = [{transform_indices = @transform_0, window_bounds = array<i64: 256, 128>}, {pipeline_mode = #tpu.pipeline_mode<synchronous>, transform_indices = @transform_1, window_bounds = array<i64: 128, 64>}, {pipeline_mode = #tpu.pipeline_mode<synchronous>, transform_indices = @transform_2, window_bounds = array<i64: 128, 64>}, {transform_indices = @transform_3, window_bounds = array<i64: 256, 32>}, {transform_indices = @transform_4, window_bounds = array<i64: 256, 64>}]} {
    %get3A = arith.constant 0 : index
    %get3A_0 = arith.constant 0 : index
    %get3A_1 = vector.load %arg1[%get3A, %get3A_0] : memref<256x128xf32, #tpu.memory_space<vmem>>, vector<256x128xf32>
    %get3A_2 = arith.constant 0 : index
    %get3A_3 = arith.constant 0 : index
    %get3A_4 = vector.load %arg2[%get3A_2, %get3A_3] : memref<128x64xf32, #tpu.memory_space<vmem>>, vector<128x64xf32>
    %dot_general3A = arith.constant dense<0.000000e+00> : vector<256x64xf32>
    %dot_general3A_5 = tpu.matmul %get3A_1, %get3A_4, %dot_general3A {dimension_numbers = #tpu.dot_dimension_numbers<[1], [0], [0], [1], [0, 0, 1, 1], [], []>, transpose_lhs_hint = false} : vector<256x128xf32>, vector<128x64xf32>, vector<256x64xf32> -> vector<256x64xf32>
    %convert_element_type3A = arith.truncf %dot_general3A_5 : vector<256x64xf32> to vector<256x64xbf16>
    %slice3A = vector.extract_strided_slice %convert_element_type3A {offsets = [0, 0], sizes = [256, 32], strides = [1, 1]} : vector<256x64xbf16> to vector<256x32xbf16>
    %bitcast_convert_type3A = tpu.bitcast %slice3A : vector<256x32xbf16> -> vector<256x32xi16>
    %convert_element_type3A_6 = arith.extui %bitcast_convert_type3A : vector<256x32xi16> to vector<256x32xi32>
    %slice3A_7 = vector.extract_strided_slice %convert_element_type3A {offsets = [0, 32], sizes = [256, 32], strides = [1, 1]} : vector<256x64xbf16> to vector<256x32xbf16>
    %bitcast_convert_type3A_8 = tpu.bitcast %slice3A_7 : vector<256x32xbf16> -> vector<256x32xi16>
    %convert_element_type3A_9 = arith.extui %bitcast_convert_type3A_8 : vector<256x32xi16> to vector<256x32xi32>
    %shift_left3A = arith.constant 16 : i32
    %shift_left3A_10 = vector.broadcast %shift_left3A : i32 to vector<256x32xi32>
    %shift_left3A_11 = arith.shli %convert_element_type3A_6, %shift_left3A_10 : vector<256x32xi32>
    %or3A = arith.ori %shift_left3A_11, %convert_element_type3A_9 : vector<256x32xi32>
    %bitcast_convert_type3A_12 = tpu.bitcast %or3A : vector<256x32xi32> -> vector<256x32xi32>
    %swap3A = arith.constant 0 : index
    %swap3A_13 = arith.constant 0 : index
    %swap3A_14 = vector.load %arg4[%swap3A, %swap3A_13] : memref<256x32xi32, #tpu.memory_space<vmem>>, vector<256x32xi32>
    tpu.vector_store %arg4[%swap3A, %swap3A_13], %bitcast_convert_type3A_12 {strides = array<i32>} : memref<256x32xi32, #tpu.memory_space<vmem>>, vector<256x32xi32>,
    %get3A_15 = arith.constant 0 : index
    %get3A_16 = arith.constant 0 : index
    %get3A_17 = vector.load %arg3[%get3A_15, %get3A_16] : memref<128x64xf32, #tpu.memory_space<vmem>>, vector<128x64xf32>
    %dot_general3A_18 = arith.constant dense<0.000000e+00> : vector<256x64xf32>
    %dot_general3A_19 = tpu.matmul %get3A_1, %get3A_17, %dot_general3A_18 {dimension_numbers = #tpu.dot_dimension_numbers<[1], [0], [0], [1], [0, 0, 1, 1], [], []>, transpose_lhs_hint = false} : vector<256x128xf32>, vector<128x64xf32>, vector<256x64xf32> -> vector<256x64xf32>
    %swap3A_20 = arith.constant 0 : index
    %swap3A_21 = arith.constant 0 : index
    %swap3A_22 = vector.load %arg5[%swap3A_20, %swap3A_21] : memref<256x64xf32, #tpu.memory_space<vmem>>, vector<256x64xf32>
    tpu.vector_store %arg5[%swap3A_20, %swap3A_21], %dot_general3A_19 {strides = array<i32>} : memref<256x64xf32, #tpu.memory_space<vmem>>, vector<256x64xf32>,
    return
  }
  func.func @transform_0(%arg0: i32) -> (i32, i32) {
    %c0_i32 = arith.constant 0 : i32
    %c0_i32_0 = arith.constant 0 : i32
    return %arg0, %c0_i32 : i32, i32
  }
  func.func @transform_1(%arg0: i32) -> (i32, i32) {
    %c0_i32 = arith.constant 0 : i32
    %c0_i32_0 = arith.constant 0 : i32
    %c0_i32_1 = arith.constant 0 : i32
    return %c0_i32, %c0_i32_0 : i32, i32
  }
  func.func @transform_2(%arg0: i32) -> (i32, i32) {
    %c0_i32 = arith.constant 0 : i32
    %c0_i32_0 = arith.constant 0 : i32
    %c0_i32_1 = arith.constant 0 : i32
    return %c0_i32, %c0_i32_0 : i32, i32
  }
  func.func @transform_3(%arg0: i32) -> (i32, i32) {
    %c0_i32 = arith.constant 0 : i32
    %c0_i32_0 = arith.constant 0 : i32
    return %arg0, %c0_i32 : i32, i32
  }
  func.func @transform_4(%arg0: i32) -> (i32, i32) {
    %c0_i32 = arith.constant 0 : i32
    %c0_i32_0 = arith.constant 0 : i32
    return %arg0, %c0_i32 : i32, i32
  }
}

module attributes {stable_mosaic.version = 14 : i64} {
  func.func @_post_body(%arg0: i32, %arg1: memref<2x256x64xf32, #tpu.memory_space<vmem>>, %arg2: memref<32x256xf32, #tpu.memory_space<vmem>>, %arg3: memref<256x64xf32, #tpu.memory_space<vmem>>, %arg4: memref<1x1x256xi32, #tpu.memory_space<vmem>>, %arg5: memref<1x64xf32, #tpu.memory_space<vmem>>, %arg6: memref<8x7xf32, #tpu.memory_space<vmem>>, %arg7: memref<8x4xf32, #tpu.memory_space<vmem>>, %arg8: memref<7x32xf32, #tpu.memory_space<vmem>>, %arg9: memref<1x32xf32, #tpu.memory_space<vmem>>, %arg10: memref<4x32xf32, #tpu.memory_space<vmem>>, %arg11: memref<1x32xf32, #tpu.memory_space<vmem>>, %arg12: memref<128x64xf32, #tpu.memory_space<vmem>>, %arg13: memref<1x64xf32, #tpu.memory_space<vmem>>, %arg14: memref<64x1xf32, #tpu.memory_space<vmem>>, %arg15: memref<1x1xf32, #tpu.memory_space<vmem>>, %arg16: memref<8x1xf32, #tpu.memory_space<vmem>>, %arg17: memref<8x64xf32, #tpu.memory_space<vmem>>, %arg18: memref<8x1xf32, #tpu.memory_space<vmem>>) attributes {dimension_semantics = [#tpu.dimension_semantics<arbitrary>], iteration_bounds = array<i64: 40>, scalar_prefetch = 0 : i64, scratch_operands = 2 : i64, tpu.core_type = #tpu.core_type<tc>, window_params = [{transform_indices = @transform_0, window_bounds = array<i64: 2, 256, 64>}, {transform_indices = @transform_1, window_bounds = array<i64: 32, 256>}, {transform_indices = @transform_2, window_bounds = array<i64: 256, 64>}, {transform_indices = @transform_3, window_bounds = array<i64: 1, 1, 256>}, {pipeline_mode = #tpu.pipeline_mode<synchronous>, transform_indices = @transform_4, window_bounds = array<i64: 1, 64>}, {pipeline_mode = #tpu.pipeline_mode<synchronous>, transform_indices = @transform_5, window_bounds = array<i64: 8, 7>}, {pipeline_mode = #tpu.pipeline_mode<synchronous>, transform_indices = @transform_6, window_bounds = array<i64: 8, 4>}, {pipeline_mode = #tpu.pipeline_mode<synchronous>, transform_indices = @transform_7, window_bounds = array<i64: 7, 32>}, {pipeline_mode = #tpu.pipeline_mode<synchronous>, transform_indices = @transform_8, window_bounds = array<i64: 1, 32>}, {pipeline_mode = #tpu.pipeline_mode<synchronous>, transform_indices = @transform_9, window_bounds = array<i64: 4, 32>}, {pipeline_mode = #tpu.pipeline_mode<synchronous>, transform_indices = @transform_10, window_bounds = array<i64: 1, 32>}, {pipeline_mode = #tpu.pipeline_mode<synchronous>, transform_indices = @transform_11, window_bounds = array<i64: 128, 64>}, {pipeline_mode = #tpu.pipeline_mode<synchronous>, transform_indices = @transform_12, window_bounds = array<i64: 1, 64>}, {pipeline_mode = #tpu.pipeline_mode<synchronous>, transform_indices = @transform_13, window_bounds = array<i64: 64, 1>}, {pipeline_mode = #tpu.pipeline_mode<synchronous>, transform_indices = @transform_14, window_bounds = array<i64: 1, 1>}, {pipeline_mode = #tpu.pipeline_mode<synchronous>, transform_indices = @transform_15, window_bounds = array<i64: 8, 1>}]} {
    %eq3A = arith.constant 0 : i32
    %eq3A_0 = arith.cmpi eq, %arg0, %eq3A : i32
    %convert_element_type3A = arith.extui %eq3A_0 : i1 to i32
    %cond3A = arith.constant 0 : i32
    %cond3A_1 = arith.cmpi ne, %convert_element_type3A, %cond3A : i32
    scf.if %cond3A_1 {
      %broadcast_in_dim3A_60 = arith.constant 0.000000e+00 : f32
      %broadcast_in_dim3A_61 = vector.broadcast %broadcast_in_dim3A_60 : f32 to vector<8x64xf32>
      %swap3A_62 = arith.constant 0 : index
      %swap3A_63 = arith.constant 0 : index
      %swap3A_64 = vector.load %arg17[%swap3A_62, %swap3A_63] : memref<8x64xf32, #tpu.memory_space<vmem>>, vector<8x64xf32>
      tpu.vector_store %arg17[%swap3A_62, %swap3A_63], %broadcast_in_dim3A_61 {strides = array<i32>} : memref<8x64xf32, #tpu.memory_space<vmem>>, vector<8x64xf32>,
      %broadcast_in_dim3A_65 = arith.constant 0.000000e+00 : f32
      %broadcast_in_dim3A_66 = vector.broadcast %broadcast_in_dim3A_65 : f32 to vector<8x1xf32>
      %swap3A_67 = arith.constant 0 : index
      %swap3A_68 = arith.constant 0 : index
      %swap3A_69 = vector.load %arg18[%swap3A_67, %swap3A_68] : memref<8x1xf32, #tpu.memory_space<vmem>>, vector<8x1xf32>
      tpu.vector_store %arg18[%swap3A_67, %swap3A_68], %broadcast_in_dim3A_66 {strides = array<i32>} : memref<8x1xf32, #tpu.memory_space<vmem>>, vector<8x1xf32>,
    } else {
    }
    %get3A = arith.constant 0 : index
    %get3A_2 = arith.constant 0 : index
    %get3A_3 = arith.constant 0 : index
    %get3A_4 = vector.load %arg1[%get3A, %get3A_2, %get3A_3] : memref<2x256x64xf32, #tpu.memory_space<vmem>>, vector<1x256x64xf32>
    %get3A_5 = vector.shape_cast %get3A_4 : vector<1x256x64xf32> to vector<256x64xf32>
    %get3A_6 = arith.constant 1 : index
    %get3A_7 = arith.constant 0 : index
    %get3A_8 = arith.constant 0 : index
    %get3A_9 = vector.load %arg1[%get3A_6, %get3A_7, %get3A_8] : memref<2x256x64xf32, #tpu.memory_space<vmem>>, vector<1x256x64xf32>
    %get3A_10 = vector.shape_cast %get3A_9 : vector<1x256x64xf32> to vector<256x64xf32>
    %add3A = arith.addf %get3A_5, %get3A_10 : vector<256x64xf32>
    %get3A_11 = arith.constant 0 : index
    %get3A_12 = arith.constant 0 : index
    %get3A_13 = vector.load %arg2[%get3A_11, %get3A_12] : memref<32x256xf32, #tpu.memory_space<vmem>>, vector<32x256xf32>
    %reduce_sum3A = arith.constant dense<0.000000e+00> : vector<256xf32>
    %reduce_sum3A_14 = vector.multi_reduction <add>, %get3A_13, %reduce_sum3A [0] : vector<32x256xf32> to vector<256xf32>
    %jit3A = arith.constant 1.000000e+00 : f32
    %max3A = vector.broadcast %jit3A : f32 to vector<256xf32>
    %max3A_15 = arith.maximumf %max3A, %reduce_sum3A_14 : vector<256xf32>
    %broadcast_in_dim3A = vector.shape_cast %max3A_15 : vector<256xf32> to vector<256x1xf32>
    %div3A = vector.broadcast %broadcast_in_dim3A : vector<256x1xf32> to vector<256x64xf32>
    %div3A_16 = arith.divf %add3A, %div3A : vector<256x64xf32>
    %get3A_17 = arith.constant 0 : index
    %get3A_18 = arith.constant 0 : index
    %get3A_19 = vector.load %arg5[%get3A_17, %get3A_18] : memref<1x64xf32, #tpu.memory_space<vmem>>, vector<1x64xf32>
    %add3A_20 = vector.broadcast %get3A_19 : vector<1x64xf32> to vector<256x64xf32>
    %add3A_21 = arith.addf %div3A_16, %add3A_20 : vector<256x64xf32>
    %get3A_22 = arith.constant 0 : index
    %get3A_23 = arith.constant 0 : index
    %get3A_24 = vector.load %arg3[%get3A_22, %get3A_23] : memref<256x64xf32, #tpu.memory_space<vmem>>, vector<256x64xf32>
    %add3A_25 = arith.addf %add3A_21, %get3A_24 : vector<256x64xf32>
    %max3A_26 = arith.constant 0.000000e+00 : f32
    %max3A_27 = vector.broadcast %max3A_26 : f32 to vector<256x64xf32>
    %max3A_28 = arith.maximumf %add3A_25, %max3A_27 : vector<256x64xf32>
    %get3A_29 = arith.constant 0 : index
    %get3A_30 = arith.constant 0 : index
    %get3A_31 = arith.constant 0 : index
    %get3A_32 = vector.load %arg4[%get3A_29, %get3A_30, %get3A_31] : memref<1x1x256xi32, #tpu.memory_space<vmem>>, vector<1x1x256xi32>
    %get3A_33 = vector.shape_cast %get3A_32 : vector<1x1x256xi32> to vector<1x256xi32>
    %iota3A = tpu.iota {dimensions = array<i32: 0>} : vector<8x256xi32>
    %eq3A_34 = vector.broadcast %get3A_33 : vector<1x256xi32> to vector<8x256xi32>
    %eq3A_35 = arith.cmpi eq, %eq3A_34, %iota3A : vector<8x256xi32>
    %convert_element_type3A_36 = arith.extui %eq3A_35 : vector<8x256xi1> to vector<8x256xi32>
    %convert_element_type3A_37 = arith.sitofp %convert_element_type3A_36 : vector<8x256xi32> to vector<8x256xf32>
    %get3A_38 = arith.constant 0 : index
    %get3A_39 = arith.constant 0 : index
    %get3A_40 = vector.load %arg17[%get3A_38, %get3A_39] : memref<8x64xf32, #tpu.memory_space<vmem>>, vector<8x64xf32>
    %dot_general3A = arith.constant dense<0.000000e+00> : vector<8x64xf32>
    %dot_general3A_41 = tpu.matmul %convert_element_type3A_37, %max3A_28, %dot_general3A {dimension_numbers = #tpu.dot_dimension_numbers<[1], [0], [0], [1], [0, 0, 1, 1], [], []>, transpose_lhs_hint = false} : vector<8x256xf32>, vector<256x64xf32>, vector<8x64xf32> -> vector<8x64xf32>
    %add3A_42 = arith.addf %get3A_40, %dot_general3A_41 : vector<8x64xf32>
    %swap3A = arith.constant 0 : index
    %swap3A_43 = arith.constant 0 : index
    %swap3A_44 = vector.load %arg17[%swap3A, %swap3A_43] : memref<8x64xf32, #tpu.memory_space<vmem>>, vector<8x64xf32>
    tpu.vector_store %arg17[%swap3A, %swap3A_43], %add3A_42 {strides = array<i32>} : memref<8x64xf32, #tpu.memory_space<vmem>>, vector<8x64xf32>,
    %get3A_45 = arith.constant 0 : index
    %get3A_46 = arith.constant 0 : index
    %get3A_47 = vector.load %arg18[%get3A_45, %get3A_46] : memref<8x1xf32, #tpu.memory_space<vmem>>, vector<8x1xf32>
    %reduce_sum3A_48 = arith.constant dense<0.000000e+00> : vector<8xf32>
    %reduce_sum3A_49 = vector.multi_reduction <add>, %convert_element_type3A_37, %reduce_sum3A_48 [1] : vector<8x256xf32> to vector<8xf32>
    %broadcast_in_dim3A_50 = vector.shape_cast %reduce_sum3A_49 : vector<8xf32> to vector<8x1xf32>
    %add3A_51 = arith.addf %get3A_47, %broadcast_in_dim3A_50 : vector<8x1xf32>
    %swap3A_52 = arith.constant 0 : index
    %swap3A_53 = arith.constant 0 : index
    %swap3A_54 = vector.load %arg18[%swap3A_52, %swap3A_53] : memref<8x1xf32, #tpu.memory_space<vmem>>, vector<8x1xf32>
    tpu.vector_store %arg18[%swap3A_52, %swap3A_53], %add3A_51 {strides = array<i32>} : memref<8x1xf32, #tpu.memory_space<vmem>>, vector<8x1xf32>,
    %eq3A_55 = arith.constant 39 : i32
    %eq3A_56 = arith.cmpi eq, %arg0, %eq3A_55 : i32
    %convert_element_type3A_57 = arith.extui %eq3A_56 : i1 to i32
    %cond3A_58 = arith.constant 0 : i32
    %cond3A_59 = arith.cmpi ne, %convert_element_type3A_57, %cond3A_58 : i32
    scf.if %cond3A_59 {
      %get3A_60 = arith.constant 0 : index
      %get3A_61 = arith.constant 0 : index
      %get3A_62 = vector.load %arg17[%get3A_60, %get3A_61] : memref<8x64xf32, #tpu.memory_space<vmem>>, vector<8x64xf32>
      %get3A_63 = arith.constant 0 : index
      %get3A_64 = arith.constant 0 : index
      %get3A_65 = vector.load %arg18[%get3A_63, %get3A_64] : memref<8x1xf32, #tpu.memory_space<vmem>>, vector<8x1xf32>
      %jit3A_66 = arith.constant 1.000000e+00 : f32
      %max3A_67 = vector.broadcast %jit3A_66 : f32 to vector<8x1xf32>
      %max3A_68 = arith.maximumf %max3A_67, %get3A_65 : vector<8x1xf32>
      %div3A_69 = vector.broadcast %max3A_68 : vector<8x1xf32> to vector<8x64xf32>
      %div3A_70 = arith.divf %get3A_62, %div3A_69 : vector<8x64xf32>
      %get3A_71 = arith.constant 0 : index
      %get3A_72 = arith.constant 0 : index
      %get3A_73 = vector.load %arg6[%get3A_71, %get3A_72] : memref<8x7xf32, #tpu.memory_space<vmem>>, vector<8x7xf32>
      %get3A_74 = arith.constant 0 : index
      %get3A_75 = arith.constant 0 : index
      %get3A_76 = vector.load %arg8[%get3A_74, %get3A_75] : memref<7x32xf32, #tpu.memory_space<vmem>>, vector<7x32xf32>
      %dot_general3A_77 = arith.constant dense<0.000000e+00> : vector<8x32xf32>
      %dot_general3A_78 = tpu.matmul %get3A_73, %get3A_76, %dot_general3A_77 {dimension_numbers = #tpu.dot_dimension_numbers<[1], [0], [0], [1], [0, 0, 1, 1], [], []>, transpose_lhs_hint = false} : vector<8x7xf32>, vector<7x32xf32>, vector<8x32xf32> -> vector<8x32xf32>
      %get3A_79 = arith.constant 0 : index
      %get3A_80 = arith.constant 0 : index
      %get3A_81 = vector.load %arg9[%get3A_79, %get3A_80] : memref<1x32xf32, #tpu.memory_space<vmem>>, vector<1x32xf32>
      %add3A_82 = vector.broadcast %get3A_81 : vector<1x32xf32> to vector<8x32xf32>
      %add3A_83 = arith.addf %dot_general3A_78, %add3A_82 : vector<8x32xf32>
      %max3A_84 = arith.constant 0.000000e+00 : f32
      %max3A_85 = vector.broadcast %max3A_84 : f32 to vector<8x32xf32>
      %max3A_86 = arith.maximumf %add3A_83, %max3A_85 : vector<8x32xf32>
      %get3A_87 = arith.constant 0 : index
      %get3A_88 = arith.constant 0 : index
      %get3A_89 = vector.load %arg7[%get3A_87, %get3A_88] : memref<8x4xf32, #tpu.memory_space<vmem>>, vector<8x4xf32>
      %get3A_90 = arith.constant 0 : index
      %get3A_91 = arith.constant 0 : index
      %get3A_92 = vector.load %arg10[%get3A_90, %get3A_91] : memref<4x32xf32, #tpu.memory_space<vmem>>, vector<4x32xf32>
      %dot_general3A_93 = arith.constant dense<0.000000e+00> : vector<8x32xf32>
      %dot_general3A_94 = tpu.matmul %get3A_89, %get3A_92, %dot_general3A_93 {dimension_numbers = #tpu.dot_dimension_numbers<[1], [0], [0], [1], [0, 0, 1, 1], [], []>, transpose_lhs_hint = false} : vector<8x4xf32>, vector<4x32xf32>, vector<8x32xf32> -> vector<8x32xf32>
      %get3A_95 = arith.constant 0 : index
      %get3A_96 = arith.constant 0 : index
      %get3A_97 = vector.load %arg11[%get3A_95, %get3A_96] : memref<1x32xf32, #tpu.memory_space<vmem>>, vector<1x32xf32>
      %add3A_98 = vector.broadcast %get3A_97 : vector<1x32xf32> to vector<8x32xf32>
      %add3A_99 = arith.addf %dot_general3A_94, %add3A_98 : vector<8x32xf32>
      %max3A_100 = arith.constant 0.000000e+00 : f32
      %max3A_101 = vector.broadcast %max3A_100 : f32 to vector<8x32xf32>
      %max3A_102 = arith.maximumf %add3A_99, %max3A_101 : vector<8x32xf32>
      %concatenate3A = tpu.concatenate %div3A_70, %max3A_86, %max3A_102 in 1 : vector<8x64xf32>, vector<8x32xf32>, vector<8x32xf32> -> vector<8x128xf32>
      %get3A_103 = arith.constant 0 : index
      %get3A_104 = arith.constant 0 : index
      %get3A_105 = vector.load %arg12[%get3A_103, %get3A_104] : memref<128x64xf32, #tpu.memory_space<vmem>>, vector<128x64xf32>
      %dot_general3A_106 = arith.constant dense<0.000000e+00> : vector<8x64xf32>
      %dot_general3A_107 = tpu.matmul %concatenate3A, %get3A_105, %dot_general3A_106 {dimension_numbers = #tpu.dot_dimension_numbers<[1], [0], [0], [1], [0, 0, 1, 1], [], []>, transpose_lhs_hint = false} : vector<8x128xf32>, vector<128x64xf32>, vector<8x64xf32> -> vector<8x64xf32>
      %get3A_108 = arith.constant 0 : index
      %get3A_109 = arith.constant 0 : index
      %get3A_110 = vector.load %arg13[%get3A_108, %get3A_109] : memref<1x64xf32, #tpu.memory_space<vmem>>, vector<1x64xf32>
      %add3A_111 = vector.broadcast %get3A_110 : vector<1x64xf32> to vector<8x64xf32>
      %add3A_112 = arith.addf %dot_general3A_107, %add3A_111 : vector<8x64xf32>
      %max3A_113 = arith.constant 0.000000e+00 : f32
      %max3A_114 = vector.broadcast %max3A_113 : f32 to vector<8x64xf32>
      %max3A_115 = arith.maximumf %add3A_112, %max3A_114 : vector<8x64xf32>
      %get3A_116 = arith.constant 0 : index
      %get3A_117 = arith.constant 0 : index
      %get3A_118 = vector.load %arg14[%get3A_116, %get3A_117] : memref<64x1xf32, #tpu.memory_space<vmem>>, vector<64x1xf32>
      %dot_general3A_119 = arith.constant dense<0.000000e+00> : vector<8x1xf32>
      %dot_general3A_120 = tpu.matmul %max3A_115, %get3A_118, %dot_general3A_119 {dimension_numbers = #tpu.dot_dimension_numbers<[1], [0], [0], [1], [0, 0, 1, 1], [], []>, transpose_lhs_hint = false} : vector<8x64xf32>, vector<64x1xf32>, vector<8x1xf32> -> vector<8x1xf32>
      %get3A_121 = arith.constant 0 : index
      %get3A_122 = arith.constant 0 : index
      %get3A_123 = vector.load %arg15[%get3A_121, %get3A_122] : memref<1x1xf32, #tpu.memory_space<vmem>>, vector<1x1xf32>
      %add3A_124 = vector.broadcast %get3A_123 : vector<1x1xf32> to vector<8x1xf32>
      %add3A_125 = arith.addf %dot_general3A_120, %add3A_124 : vector<8x1xf32>
      %swap3A_126 = arith.constant 0 : index
      %swap3A_127 = arith.constant 0 : index
      %swap3A_128 = vector.load %arg16[%swap3A_126, %swap3A_127] : memref<8x1xf32, #tpu.memory_space<vmem>>, vector<8x1xf32>
      tpu.vector_store %arg16[%swap3A_126, %swap3A_127], %add3A_125 {strides = array<i32>} : memref<8x1xf32, #tpu.memory_space<vmem>>, vector<8x1xf32>,
    } else {
    }
    return
  }
  func.func @transform_0(%arg0: i32) -> (i32, i32, i32) {
    %c0_i32 = arith.constant 0 : i32
    %c0_i32_0 = arith.constant 0 : i32
    %c0_i32_1 = arith.constant 0 : i32
    return %c0_i32, %arg0, %c0_i32_0 : i32, i32, i32
  }
  func.func @transform_1(%arg0: i32) -> (i32, i32) {
    %c0_i32 = arith.constant 0 : i32
    %c0_i32_0 = arith.constant 0 : i32
    return %c0_i32, %arg0 : i32, i32
  }
  func.func @transform_2(%arg0: i32) -> (i32, i32) {
    %c0_i32 = arith.constant 0 : i32
    %c0_i32_0 = arith.constant 0 : i32
    return %arg0, %c0_i32 : i32, i32
  }
  func.func @transform_3(%arg0: i32) -> (i32, i32, i32) {
    %c0_i32 = arith.constant 0 : i32
    %c0_i32_0 = arith.constant 0 : i32
    %c0_i32_1 = arith.constant 0 : i32
    return %arg0, %c0_i32, %c0_i32_0 : i32, i32, i32
  }
  func.func @transform_4(%arg0: i32) -> (i32, i32) {
    %c0_i32 = arith.constant 0 : i32
    %c0_i32_0 = arith.constant 0 : i32
    %c0_i32_1 = arith.constant 0 : i32
    return %c0_i32, %c0_i32_0 : i32, i32
  }
  func.func @transform_5(%arg0: i32) -> (i32, i32) {
    %c0_i32 = arith.constant 0 : i32
    %c0_i32_0 = arith.constant 0 : i32
    %c0_i32_1 = arith.constant 0 : i32
    return %c0_i32, %c0_i32_0 : i32, i32
  }
  func.func @transform_6(%arg0: i32) -> (i32, i32) {
    %c0_i32 = arith.constant 0 : i32
    %c0_i32_0 = arith.constant 0 : i32
    %c0_i32_1 = arith.constant 0 : i32
    return %c0_i32, %c0_i32_0 : i32, i32
  }
  func.func @transform_7(%arg0: i32) -> (i32, i32) {
    %c0_i32 = arith.constant 0 : i32
    %c0_i32_0 = arith.constant 0 : i32
    %c0_i32_1 = arith.constant 0 : i32
    return %c0_i32, %c0_i32_0 : i32, i32
  }
  func.func @transform_8(%arg0: i32) -> (i32, i32) {
    %c0_i32 = arith.constant 0 : i32
    %c0_i32_0 = arith.constant 0 : i32
    %c0_i32_1 = arith.constant 0 : i32
    return %c0_i32, %c0_i32_0 : i32, i32
  }
  func.func @transform_9(%arg0: i32) -> (i32, i32) {
    %c0_i32 = arith.constant 0 : i32
    %c0_i32_0 = arith.constant 0 : i32
    %c0_i32_1 = arith.constant 0 : i32
    return %c0_i32, %c0_i32_0 : i32, i32
  }
  func.func @transform_10(%arg0: i32) -> (i32, i32) {
    %c0_i32 = arith.constant 0 : i32
    %c0_i32_0 = arith.constant 0 : i32
    %c0_i32_1 = arith.constant 0 : i32
    return %c0_i32, %c0_i32_0 : i32, i32
  }
  func.func @transform_11(%arg0: i32) -> (i32, i32) {
    %c0_i32 = arith.constant 0 : i32
    %c0_i32_0 = arith.constant 0 : i32
    %c0_i32_1 = arith.constant 0 : i32
    return %c0_i32, %c0_i32_0 : i32, i32
  }
  func.func @transform_12(%arg0: i32) -> (i32, i32) {
    %c0_i32 = arith.constant 0 : i32
    %c0_i32_0 = arith.constant 0 : i32
    %c0_i32_1 = arith.constant 0 : i32
    return %c0_i32, %c0_i32_0 : i32, i32
  }
  func.func @transform_13(%arg0: i32) -> (i32, i32) {
    %c0_i32 = arith.constant 0 : i32
    %c0_i32_0 = arith.constant 0 : i32
    %c0_i32_1 = arith.constant 0 : i32
    return %c0_i32, %c0_i32_0 : i32, i32
  }
  func.func @transform_14(%arg0: i32) -> (i32, i32) {
    %c0_i32 = arith.constant 0 : i32
    %c0_i32_0 = arith.constant 0 : i32
    %c0_i32_1 = arith.constant 0 : i32
    return %c0_i32, %c0_i32_0 : i32, i32
  }
  func.func @transform_15(%arg0: i32) -> (i32, i32) {
    %c0_i32 = arith.constant 0 : i32
    %c0_i32_0 = arith.constant 0 : i32
    %c0_i32_1 = arith.constant 0 : i32
    return %c0_i32, %c0_i32_0 : i32, i32
  }
}

</mosaic_0001>

<sc_bundles>
// kernel: kernel.5.cloned.1.call-start
scs
__scs_entry_jumppad:
0x0: {  	(pc) =	sbr.rel $0x88, $3  }
0x1: {  	(tag) =	ssettag $0x0;
	lr =	simm.s32 $0x1  }
0x2: {  	[smem:$0x3F91] =	sst lr;
	_ =	strace $0xD0000000  }
0x3: {  	_ = 	snop  }
0x4: {  	_ = 	snop  }
0x5: {  	_ = 	snop  }
0x6: {  	_ = 	snop  }
0x7: {  	_ = 	snop  }
__scs_overlays_trampoline_lowered:
0x8: {  	[smem:$0x3FA0] =	sst s0  }
0x9: {  	[smem:$0x3FA1] =	sst s1  }
0xa: {  	[smem:$0x3FA2] =	sst s2  }
0xb: {  	[smem:$0x3FA3] =	sst s3  }
0xc: {  	[smem:$0x3FA4] =	sst s4  }
0xd: {  	[smem:$0x3FA5] =	sst s5  }
0xe: {  	[smem:$0x3FA6] =	sst s6  }
0xf: {  	[smem:$0x3FA7] =	sst s7  }
0x10: {  	[smem:$0x3FA8] =	sst s8  }
0x11: {  	[smem:$0x3FA9] =	sst s9;
	s0 =	simm.s32 @!p0 $0x0  }
0x12: {  	s1 =	sld [smem:$0x3F8F];
	s0 =	simm.s32 @p0 $0x1  }
0x13: {  	[smem:$0x3FAA] =	sst s0;
	s0 =	simm.s32 @!p1 $0x0  }
0x14: {  	s2 =	sld [smem:$0x3F8E];
	s0 =	simm.s32 @p1 $0x1  }
0x15: {  	[smem:$0x3FAB] =	sst s0;
	s0 =	simm.s32 @!p2 $0x0  }
0x16: {  	s3 =	sld [smem:$0x3FDB];
	s0 =	simm.s32 @p2 $0x1  }
0x17: {  	s4 =	simm.s32 $0x1BF5;
	[smem:$0x3FAD] =	sst s0  }
0x18: {  	s0 =	sld [smem:$0x3F90];
	_ =	swait.ge [sflag:s4], $0x0  }
0x19: {  	s7 =	sld [smem:$0x3F91]  }
0x1a: {  	s8 =	sadd.s32 $0xFFFFE003, lr  }
0x1b: {  	s9 =	sadd.s32 $0xFFFFFEF7, lr;
	s5 =	simm.s32 $0xFFFFFFFF;
	p2 =	slt.u32 s8, $0xFFFFF086  }
0x1c: {  	p1 =	slt.u32 s9, $0xF7A;
	s5 =	simm.s32 @!p2 $0x0  }
0x1d: {  	s5 =	simm.s32 @p1 $0x1;
	p0 =	seq.s32 s7, s2  }
0x1e: {  	s7 =	smul.u32 @!p0 $0xF7A, s2;
	p2 =	seq.s32 @!p0 s5, $0x0  }
0x1f: {  	s9 =	smul.u32 $0xF7A, s1;
	s8 =	simm.s32 @!p0 $0x1BF5;
	p2 =	por !p2, p0  }
0x20: {  	[sflag:s8] =	ssyncset.s32 @!p0 $0xFFFFF086;
	s6 =	sadd.s32 @!p0 s3, s7;
	s7 =	simm.s32 @!p0 $0x108  }
0x21: {  	s3 =	sadd.s32 s3, s9;
	s6 =	sadd.s32 @!p0 $0x88, s6;
	s7 =	simm.s32 @p2 $0x1082  }
0x22: {  	[simem:s7], [sflag:s8] =	dma.local @!p0 [hbm:s6], $0xF7A  }
0x23: {  	s9 =	sor.u32 $0xD0000000, s2;
	s6 =	simm.s32 $0x108;
	_ =	swait.ge @!p0 [sflag:s8], $0x0  }
0x24: {  	s3 =	sadd.s32 $0x88, s3;
	s6 =	simm.s32 @!p1 $0x1082;
	[sflag:s4] =	ssyncset.s32 $0xFFFFF086  }
0x25: {  	[simem:s6], [sflag:s4] =	dma.local [hbm:s3], $0xF7A  }
0x26: {  	[smem:$0x3F91] =	sst s1;
	(tag) =	ssettag s2;
	_ =	strace s9  }
0x27: {  	s1 =	sld [smem:$0x3FA1]  }
0x28: {  	s2 =	sld [smem:$0x3FA2]  }
0x29: {  	s4 =	sld [smem:$0x3FA4]  }
0x2a: {  	p0 =	seq.s32 s5, $0x0;
	s5 =	sld [smem:$0x3FA5]  }
0x2b: {  	s6 =	sld [smem:$0x3FA6]  }
0x2c: {  	s7 =	sld [smem:$0x3FA7]  }
0x2d: {  	s3 =	simm.s32 $0x108;
	s8 =	sld [smem:$0x3FA8]  }
0x2e: {  	s3 =	simm.s32 @!p0 $0x1082;
	s9 =	sld [smem:$0x3FA9]  }
0x2f: {  	lr =	sadd.s32 s0, s3;
	s0 =	sld [smem:$0x3FA0]  }
0x30: {  	s3 =	sld [smem:$0x3FA3]  }
0x31: {  	[smem:$0x3FAC] =	sst s10  }
0x32: {  	s10 =	sld [smem:$0x3FAA];
	_ =	sdelay $0x3  }
0x33: {  	p0 =	seq.s32 s10, $0x1;
	s10 =	sld [smem:$0x3FAC];
	_ =	sdelay $0x3  }
0x34: {  	[smem:$0x3FAC] =	sst s10  }
0x35: {  	s10 =	sld [smem:$0x3FAB];
	_ =	sdelay $0x3  }
0x36: {  	p1 =	seq.s32 s10, $0x1;
	s10 =	sld [smem:$0x3FAC];
	_ =	sdelay $0x3  }
0x37: {  	[smem:$0x3FAC] =	sst s10  }
0x38: {  	s10 =	sld [smem:$0x3FAD]  }
0x39: {  	_ = 	snop;
	(pc) =	sbr.ind lr, $3  }
0x3a: {  	_ = 	snop  }
0x3b: {  	_ = 	snop  }
0x3c: {  	p2 =	seq.s32 s10, $0x1;
	s10 =	sld [smem:$0x3FAC]  }
0x3d: {  	_ =	shalt  }
0x3e: {  	_ =	shalt  }
0x3f: {  	_ =	shalt  }
0x40: {  	_ =	shalt  }
0x41: {  	_ =	shalt  }
0x42: {  	_ =	shalt  }
0x43: {  	_ =	shalt  }
0x44: {  	_ =	shalt  }
0x45: {  	_ =	shalt  }
0x46: {  	_ =	shalt  }
0x47: {  	_ =	shalt  }
0x48: {  	_ =	shalt  }
0x49: {  	_ =	shalt  }
0x4a: {  	_ =	shalt  }
0x4b: {  	_ =	shalt  }
0x4c: {  	_ =	shalt  }
0x4d: {  	_ =	shalt  }
0x4e: {  	_ =	shalt  }
0x4f: {  	_ =	shalt  }
0x50: {  	_ =	shalt  }
0x51: {  	_ =	shalt  }
0x52: {  	_ =	shalt  }
0x53: {  	_ =	shalt  }
0x54: {  	_ =	shalt  }
0x55: {  	_ =	shalt  }
0x56: {  	_ =	shalt  }
0x57: {  	_ =	shalt  }
0x58: {  	_ =	shalt  }
0x59: {  	_ =	shalt  }
0x5a: {  	_ =	shalt  }
0x5b: {  	_ =	shalt  }
0x5c: {  	_ =	shalt  }
0x5d: {  	_ =	shalt  }
0x5e: {  	_ =	shalt  }
0x5f: {  	_ =	shalt  }
0x60: {  	_ =	shalt  }
0x61: {  	_ =	shalt  }
0x62: {  	_ =	shalt  }
0x63: {  	_ =	shalt  }
0x64: {  	_ =	shalt  }
0x65: {  	_ =	shalt  }
0x66: {  	_ =	shalt  }
0x67: {  	_ =	shalt  }
0x68: {  	_ =	shalt  }
0x69: {  	_ =	shalt  }
0x6a: {  	_ =	shalt  }
0x6b: {  	_ =	shalt  }
0x6c: {  	_ =	shalt  }
0x6d: {  	_ =	shalt  }
0x6e: {  	_ =	shalt  }
0x6f: {  	_ =	shalt  }
0x70: {  	_ =	shalt  }
0x71: {  	_ =	shalt  }
0x72: {  	_ =	shalt  }
0x73: {  	_ =	shalt  }
0x74: {  	_ =	shalt  }
0x75: {  	_ =	shalt  }
0x76: {  	_ =	shalt  }
0x77: {  	_ =	shalt  }
0x78: {  	_ =	shalt  }
0x79: {  	_ =	shalt  }
0x7a: {  	_ =	shalt  }
0x7b: {  	_ =	shalt  }
0x7c: {  	_ =	shalt  }
0x7d: {  	_ =	shalt  }
0x7e: {  	_ =	shalt  }
0x7f: {  	_ =	shalt  }
0x80: {  	_ =	shalt  }
0x81: {  	_ =	shalt  }
0x82: {  	_ =	shalt  }
0x83: {  	_ =	shalt  }
0x84: {  	_ =	shalt  }
0x85: {  	_ =	shalt  }
0x86: {  	_ =	shalt  }
0x87: {  	_ =	shalt  }
.Lfunc_end0:
.L_simem_size_0:
called_computation_lowered:
.L_overlay_start_0:
0x88: {  	s2 =	sld [smem:$0x3FD9]  }
0x89: {  	s3 =	sld [smem:$0x3FFE];
	_ =	sdelay $0x1  }
0x8a: {  	s1 =	srdreg.scid  }
0x8b: {  	s0 =	sand.u32 $0x1, s1  }
0x8c: {  	s16 =	sshll.u32 s0, $0xA;
	s2 =	sadd.s32 s3, s2  }
0x8d: {  	s2 =	sadd.s32 s2, s16  }
0x8e: {  	[smem:$0x3FB8] =	sst s2  }
0x8f: {  	_ = 	snop  }
0x90: {  	(tm) =	ssettm $0x1  }
0x91: {  	s17 =	sld [smem:$0x3FFB];
	_ =	sdelay $0x3  }
0x92: {  	_ =	strace s17  }
0x93: {  	s2 =	sld [smem:$0x3FFC];
	_ =	sdelay $0x3  }
0x94: {  	_ =	strace s2  }
0x95: {  	s2 =	sld [smem:$0x3FFD];
	_ =	sdelay $0x3  }
0x96: {  	_ =	strace s2  }
0x97: {  	_ =	strace $0x8FFFFFFF  }
0x98: {  	s18 =	sld [smem:$0x3FDB];
	_ =	sdelay $0x1  }
0x99: {  	s19 =	simm.s32 $_scs_section_size  }
0x9a: {  	s4 =	simm.s32 $_size__tile_overlayer_lowered;
	s5 =	simm.s32 $_tile_overlayer_lowered  }
0x9b: {  	s22 =	simm.s32 $0x1BFF;
	s21 =	sshll.u32 s5, $0x1;
	s2 =	sadd.s32 s19, s18  }
0x9c: {  	s6 =	simm.s32 $0x0;
	s20 =	sshll.u32 s4, $0x1;
	s4 =	sadd.s32 s21, s2  }
0x9d: {  	[timem:s6], [sflag:s22] =	dma.local [hbm:s4], s20  }
0x9e: {  	_ =	swait.ge [sflag:s22], s20  }
0x9f: {  	s3 =	ssub.s32 $0x0, s20;
	[sflag:s22] =	ssyncset.done $0x0  }
0xa0: {  	[sflag:s22] =	ssyncadd.s32 s3;
	_ =	sdelay $0x1  }
0xa1: {  	s23 =	simm.s32 $0x1B8B  }
0xa2: {  	_ =	swait.ge [sflag:s23], $0x1  }
0xa3: {  	[sflag:s23] =	ssyncset.done $0x0  }
0xa4: {  	s25 =	simm.s32 $0x1B8E;
	s24 =	sld [smem:$0x3FFE];
	[sflag:s23] =	ssyncadd.s32 $0xFFFFFFFF  }
0xa5: {  	s26 =	simm.s32 $execute0_lowered;
	[smem:$0x3FD2] =	sst s25  }
0xa6: {  	s4 =	sshll.u32 s26, $0x1;
	_ =	strace $0x80000046;
	[dreg:$0x1] =	wrdreg $0xFFFFFFFF  }
0xa7: {  	s28 =	simm.s32 $_size_execute0_lowered;
	s2 =	sadd.s32 s2, s4;
	[dreg:$0x0] =	wrdreg $0x0  }
0xa8: {  	s4 =	sshll.u32 s28, $0x1;
	[dreg:$0x2] =	wrdreg s2  }
0xa9: {  	[dreg:$0x3] =	wrdreg s4  }
0xaa: {  	[dreg:$0x4] =	wrdreg $0xC0  }
0xab: {  	_ =	task [dreg:s6], $0x5FFFF  }
0xac: {  	[dreg:$0x1] =	wrdreg $0xFFFFFFFF  }
0xad: {  	[dreg:$0x0] =	wrdreg $0x60  }
0xae: {  	[dreg:$0x2] =	wrdreg s24  }
0xaf: {  	[dreg:$0x3] =	wrdreg $0xD8000  }
0xb0: {  	[dreg:$0x4] =	wrdreg $0x9  }
0xb1: {  	_ =	task.clear_ibuf [dreg:s6], $0x5FFFF;
	_ =	strace $0x90000046  }
0xb2: {  	s29 =	simm.s32 $0x9;
	_ =	strace $0x8000004F  }
0xb3: {  	_ =	swait.ge [sflag:s29], $0x1  }
0xb4: {  	[sflag:s29] =	ssyncadd.s32 $0xFFFFFFFF  }
0xb5: {  	_ =	strace $0x9000004F  }
0xb6: {  	_ =	sfence  }
0xb7: {  	s30 =	sld [smem:$0x0];
	_ =	sdelay $0x2  }
0xb8: {  	s31 =	sshll.u32 s1, $0xD;
	s1 =	sshrl.u32 s1, $0x2  }
0xb9: {  	s3 =	sand.u32 $0x4000, s31;
	s1 =	sadd.s32 s1, s30  }
0xba: {  	s0 =	sor.u32 s3, s0;
	s1 =	sshll.u32 s1, $0x11  }
0xbb: {  	s0 =	sor.u32 s1, s0  }
0xbc: {  	s0 =	sadd.s32 $0x8F2B, s0  }
0xbd: {  	[sflag:s0] =	ssyncadd.remote.s32 $0x1  }
0xbe: {  	_ =	sfence.sel $0xFFFF  }
0xbf: {  	[dreg:$0x0] =	wrdreg $0xFFFFFFFF;
	(pc) =	sbr.abs _section_cstart, $3  }
0xc0: {  	[dreg:$0x1] =	wrdreg $0xFFFFFFFF  }
0xc1: {  	_ =	task.clear_ibuf [dreg:s6], $0x2FFFF;
	_ =	strace $0x9FFFFFFF  }
0xc2: {  	(tm) =	ssettm $0x7FFFFFFF  }
0xc3: {  	_ =	shalt  }
tec
execute0_lowered:
.L_overlay_start_1:
0x0: {  	(tag) =	ssettag $0x1  }
0x1: {  	s0 =	rddreg [dreg:$0x0]  }
0x2: {  	s2 =	rddreg [dreg:$0x1]  }
0x3: {  	s10 =	stileid.u32;
	s1 =	srdreg.scid;
	s4 =	simm.s32 $0x0  }
0x4: {  	s13 =	simm.s32 $0x7;
	s15 =	simm.s32 $0x1;
	s16 =	simm.s32 $0x2  }
0x5: {  	s17 =	simm.s32 $0x80;
	s18 =	simm.s32 $0x5000;
	s19 =	simm.s32 $0x6000  }
0x6: {  	s21 =	simm.s32 $0x7000;
	s23 =	simm.s32 $0x8000;
	s28 =	simm.s32 $0x4  }
0x7: {  	s29 =	simm.s32 $0x5;
	s30 =	simm.s32 $0x6;
	s31 =	simm.s32 $0x0  }
0x8: {  	s3 =	smul.u32 $0xA000, s10;
	s1 =	sand.u32 $0x1, s1;
	[smem:$0x7FF] =	sst s4  }
0x9: {  	s4 =	sadd.s32 $0x1C00, s0;
	s6 =	sshll.u32 s10, $0x1;
	s26 =	sshll.u32 s10, $0x6  }
0xa: {  	s5 =	smul.u32 $0xA0000, s1;
	_ =	strace $0x80000047;
	s6 =	sor.u32 s1, s6  }
0xb: {  	s1 =	ssub.s32 $0x2, s1;
	s11 =	sor.u32 $0x1C07, s26;
	s26 =	simm.s32 $0x9000  }
0xc: {  	s7 =	sshrl.u32 s3, $0x3;
	s6 =	smul.u32 $0x500, s6;
	s8 =	sshrl.u32 s1, $0x1  }
0xd: {  	s5 =	sadd.s32 s3, s5;
	s7 =	sadd.s32 s7, s0;
	s1 =	ssub.s32 s1, s8  }
0xe: {  	s3 =	sadd.s32 s3, s2;
	s5 =	sshrl.u32 s5, $0x3;
	s24 =	sadd.s32 $0x1FC00, s7  }
0xf: {  	s10 =	smax.u32 s1, $0x1;
	s12 =	sshrl.u32 s3, $0x3;
	s5 =	sadd.s32 s5, s0  }
0x10: {  	s0 =	sadd.s32 s6, s0;
	[dreg:$0x3] =	wrdreg s24;
	s24 =	simm.s32 $0x3  }
0x11: {  	s25 =	sadd.s32 $0x15C00, s0;
	s7 =	sadd.s32 $0xBC00, s0;
	s8 =	sadd.s32 $0x5BC00, s0  }
0x12: {  	v0 =	vimm.f32 $0.0e+00;
	v1 =	vimm.f32 $1.000000000e+00;
	s9 =	sadd.s32 $0x33C00, s5;
	[dreg:$0x4] =	wrdreg s25;
	s25 =	simm.s32 $0xB000  }
.LBB2_1:
0x13: {  	_ =	strace $0x80000048  }
0x14: {  	s0 =	rddreg [dreg:$0x3]  }
0x15: {  	[spmem:s12], [sflag:s11] =	dma.local [hbm:s0], $0x1400  }
0x16: {  	_ =	swait.ge [sflag:s13], $0x1400  }
0x17: {  	[sflag:s13] =	ssyncset.done $0x0  }
0x18: {  	s1 =	simm.s32 $0x0;
	s0 =	simm.s32 $0x40;
	[sflag:s13] =	ssyncadd.s32 $0xFFFFEC00  }
.LBB2_2:
0x19: {  	p0 =	sne.s32 s0, $0x9FC0;
	[tilespmem:s1+$0xB000] =	vst v0;
	s1 =	smov.u32 s0;
	s0 =	sadd.s32 $0x40, s0  }
.Ltmp0:
0x1a: {  	(pc) =	sbr.rel @p0 .LBB2_2-.Ltmp0, $2  }
0x1b: {  	_ =	sdelay $0x2  }
0x1c: {  	s1 =	sshra.s32 s1, $0x2  }
0x1d: {  	[tilespmem:s1+$0xB000] =	vst v0  }
0x1e: {  	_ =	strace $0x90000048  }
0x1f: {  	_ =	strace $0x80000049  }
0x20: {  	[bflag:$0x0] =	sbarrier.arrive $0xFFFF  }
0x21: {  	_ =	strace $0x90000049  }
0x22: {  	_ =	strace $0x8000004A  }
0x23: {  	s0 =	simm.s32 $0x0;
	s6 =	rddreg [dreg:$0x4]  }
0x24: {  	[tilespmem:s0], [sflag:$0x1] =	stream.linear.gather [hbm4b:s6+s0], $0x2800, $0x200038;
	[tilespmem:$0x17800] =	vst v63  }
0x25: {  	s14 =	simm.s32 $0x2800  }
0x26: {  	[tilespmem:s14], [sflag:$0x2] =	stream.linear.gather [hbm4b:s7+s0], $0x2800, $0x200038;
	[tilespmem:$0x17800] =	vst v63  }
0x27: {  	_ =	swait.ge [sflag:s15], $0x2800  }
0x28: {  	[sflag:s15] =	ssyncset.done $0x0  }
0x29: {  	[sflag:s15] =	ssyncadd.s32 $0xFFFFD800  }
0x2a: {  	_ =	swait.ge [sflag:s16], $0x2800  }
0x2b: {  	[sflag:s16] =	ssyncset.done $0x0  }
0x2c: {  	[sflag:s16] =	ssyncadd.s32 $0xFFFFD800  }
0x2d: {  	[tilespmem:s18], [sflag:$0x3] =	stream.indirect.gather [hbm4b:s4+s17], $0x20, s0, s17, $0x2000b8;
	[tilespmem:$0x17800] =	vst v63  }
0x2e: {  	_ = 	snop  }
0x2f: {  	[tilespmem:s19], [sflag:$0x4] =	stream.indirect.gather [hbm4b:s4+s17], $0x20, s17, s17, $0x2000b8;
	[tilespmem:$0x17800] =	vst v63  }
0x30: {  	s20 =	simm.s32 $0x100  }
0x31: {  	[tilespmem:s21], [sflag:$0x5] =	stream.indirect.gather [hbm4b:s4+s17], $0x20, s20, s17, $0x2000b8;
	[tilespmem:$0x17800] =	vst v63  }
0x32: {  	s22 =	simm.s32 $0x180  }
0x33: {  	[tilespmem:s23], [sflag:$0x6] =	stream.indirect.gather [hbm4b:s4+s17], $0x20, s22, s17, $0x2000b8;
	[tilespmem:$0x17800] =	vst v63  }
0x34: {  	_ =	strace $0x9000004A  }
0x35: {  	_ =	strace $0x8000004B  }
.LBB2_4:
0x36: {  	_ =	swait.ge [sflag:s24], $0x1000  }
0x37: {  	s1 =	sshll.u32 s0, $0x9;
	[sflag:s24] =	ssyncset.done $0x0  }
0x38: {  	s1 =	sand.u32 $0x3FFFFE00, s1;
	[sflag:s24] =	ssyncadd.s32 $0xFFFFF000  }
0x39: {  	v2 =	vld [tilespmem:s1+$0x2800];
	_ =	sdelay $0x7  }
0x3a: {  	[tilespmem:v2+s25+$0x0] =	vst.idx.add.f32.msk $0xffff, v1  }
0x3b: {  	v2 =	vld [tilespmem:s1+$0x2810];
	_ =	sdelay $0x7  }
0x3c: {  	[tilespmem:v2+s25+$0x0] =	vst.idx.add.f32.msk $0xffff, v1  }
0x3d: {  	v2 =	vld [tilespmem:s1+$0x2820];
	_ =	sdelay $0x7  }
0x3e: {  	[tilespmem:v2+s25+$0x0] =	vst.idx.add.f32.msk $0xffff, v1  }
0x3f: {  	v2 =	vld [tilespmem:s1+$0x2830];
	_ =	sdelay $0x7  }
0x40: {  	[tilespmem:v2+s25+$0x0] =	vst.idx.add.f32.msk $0xffff, v1  }
0x41: {  	v2 =	vld [tilespmem:s1+$0x2840];
	_ =	sdelay $0x7  }
0x42: {  	[tilespmem:v2+s25+$0x0] =	vst.idx.add.f32.msk $0xffff, v1  }
0x43: {  	v2 =	vld [tilespmem:s1+$0x2850];
	_ =	sdelay $0x7  }
0x44: {  	[tilespmem:v2+s25+$0x0] =	vst.idx.add.f32.msk $0xffff, v1  }
0x45: {  	v2 =	vld [tilespmem:s1+$0x2860];
	_ =	sdelay $0x7  }
0x46: {  	[tilespmem:v2+s25+$0x0] =	vst.idx.add.f32.msk $0xffff, v1  }
0x47: {  	v2 =	vld [tilespmem:s1+$0x2870];
	_ =	sdelay $0x7  }
0x48: {  	s5 =	simm.s32 $0x0;
	[tilespmem:v2+s25+$0x0] =	vst.idx.add.f32.msk $0xffff, v1  }
0x49: {  	v2 =	vld [tilespmem:s5+$0x5000];
	_ =	sdelay $0x4  }
0x4a: {  	s3 =	simm.s32 $0x9020;
	v3 =	vand.u32 $0xFFFF0000, v2  }
0x4b: {  	v2 =	vshll.u32 v2, $0x10;
	[tilespmem:s3+$0xFFFFFFE0] =	vst v3  }
0x4c: {  	[tilespmem:s3+$0x0] =	vst v2  }
0x4d: {  	s22 =	simm.s32 $0x80;
	s20 =	simm.s32 $0x9020;
	s14 =	sadd.s32 $0x2800, s1;
	v2 =	vld [tilespmem:s5+$0x5010]  }
.LBB2_5:
0x4e: {  	_ =	sdelay $0x2  }
0x4f: {  	p0 =	sne.s32 s22, $0x3F80  }
0x50: {  	s3 =	sadd.s32 $0x40, s3;
	s5 =	smov.u32 s22;
	s22 =	sadd.s32 $0x80, s22;
	v3 =	vand.u32 $0xFFFF0000, v2;
	v2 =	vshll.u32 v2, $0x10  }
0x51: {  	[tilespmem:s20+$0xFFFFFFF0] =	vst v3  }
0x52: {  	s5 =	sshra.s32 s5, $0x2;
	[tilespmem:s20+$0x10] =	vst v2;
	s20 =	smov.u32 s3  }
0x53: {  	v2 =	vld [tilespmem:s5+$0x5000];
	_ =	sdelay $0x3  }
.Ltmp1:
0x54: {  	(pc) =	sbr.rel @p0 .LBB2_5-.Ltmp1, $4  }
0x55: {  	v3 =	vand.u32 $0xFFFF0000, v2;
	v2 =	vshll.u32 v2, $0x10  }
0x56: {  	[tilespmem:s3+$0xFFFFFFE0] =	vst v3  }
0x57: {  	[tilespmem:s3+$0x0] =	vst v2  }
0x58: {  	v2 =	vld [tilespmem:s5+$0x5010]  }
0x59: {  	_ =	sdelay $0x3  }
0x5a: {  	v3 =	vand.u32 $0xFFFF0000, v2  }
0x5b: {  	v2 =	vshll.u32 v2, $0x10;
	[tilespmem:s20+$0xFFFFFFF0] =	vst v3  }
0x5c: {  	s3 =	sshll.u32 s0, $0x2;
	[tilespmem:s20+$0x10] =	vst v2  }
0x5d: {  	[spmem:s2] =	stream.indirect.scatter.add.f32 [tilespmem:s26], [sflag:$0x7], $0x40, s14, s17, $0x2000b8;
	[tilespmem:$0x17800] =	vst v63  }
0x5e: {  	s5 =	smin.u32 s3, $0x4B;
	_ =	swait.ge [sflag:s13], $0x2000  }
0x5f: {  	s5 =	sshll.u32 s5, $0x7;
	[sflag:s13] =	ssyncset.done $0x0  }
0x60: {  	s5 =	sadd.s32 $0x200, s5;
	[sflag:s13] =	ssyncadd.s32 $0xFFFFE000  }
0x61: {  	[tilespmem:s18], [sflag:$0x3] =	stream.indirect.gather [hbm4b:s4+s17], $0x20, s5, s17, $0x2000b8;
	[tilespmem:$0x17800] =	vst v63  }
0x62: {  	_ =	swait.ge [sflag:s28], $0x1000  }
0x63: {  	[sflag:s28] =	ssyncset.done $0x0  }
0x64: {  	[sflag:s28] =	ssyncadd.s32 $0xFFFFF000  }
0x65: {  	v2 =	vld [tilespmem:s1+$0x2880];
	_ =	sdelay $0x7  }
0x66: {  	[tilespmem:v2+s25+$0x0] =	vst.idx.add.f32.msk $0xffff, v1  }
0x67: {  	v2 =	vld [tilespmem:s1+$0x2890];
	_ =	sdelay $0x7  }
0x68: {  	[tilespmem:v2+s25+$0x0] =	vst.idx.add.f32.msk $0xffff, v1  }
0x69: {  	v2 =	vld [tilespmem:s1+$0x28A0];
	_ =	sdelay $0x7  }
0x6a: {  	[tilespmem:v2+s25+$0x0] =	vst.idx.add.f32.msk $0xffff, v1  }
0x6b: {  	v2 =	vld [tilespmem:s1+$0x28B0];
	_ =	sdelay $0x7  }
0x6c: {  	[tilespmem:v2+s25+$0x0] =	vst.idx.add.f32.msk $0xffff, v1  }
0x6d: {  	v2 =	vld [tilespmem:s1+$0x28C0];
	_ =	sdelay $0x7  }
0x6e: {  	[tilespmem:v2+s25+$0x0] =	vst.idx.add.f32.msk $0xffff, v1  }
0x6f: {  	v2 =	vld [tilespmem:s1+$0x28D0];
	_ =	sdelay $0x7  }
0x70: {  	[tilespmem:v2+s25+$0x0] =	vst.idx.add.f32.msk $0xffff, v1  }
0x71: {  	v2 =	vld [tilespmem:s1+$0x28E0];
	_ =	sdelay $0x7  }
0x72: {  	[tilespmem:v2+s25+$0x0] =	vst.idx.add.f32.msk $0xffff, v1  }
0x73: {  	v2 =	vld [tilespmem:s1+$0x28F0];
	_ =	sdelay $0x7  }
0x74: {  	s22 =	simm.s32 $0x0;
	[tilespmem:v2+s25+$0x0] =	vst.idx.add.f32.msk $0xffff, v1  }
0x75: {  	v2 =	vld [tilespmem:s22+$0x6000];
	_ =	sdelay $0x4  }
0x76: {  	s20 =	simm.s32 $0x9020;
	v3 =	vand.u32 $0xFFFF0000, v2  }
0x77: {  	v2 =	vshll.u32 v2, $0x10;
	[tilespmem:s20+$0xFFFFFFE0] =	vst v3  }
0x78: {  	[tilespmem:s20+$0x0] =	vst v2  }
0x79: {  	s14 =	sadd.s32 $0x2880, s1;
	s5 =	simm.s32 $0x80;
	v2 =	vld [tilespmem:s22+$0x6010];
	s22 =	simm.s32 $0x9020  }
.LBB2_7:
0x7a: {  	_ =	sdelay $0x2  }
0x7b: {  	p0 =	sne.s32 s5, $0x3F80  }
0x7c: {  	s20 =	sadd.s32 $0x40, s20;
	s6 =	smov.u32 s5;
	s5 =	sadd.s32 $0x80, s5;
	v3 =	vand.u32 $0xFFFF0000, v2;
	v2 =	vshll.u32 v2, $0x10  }
0x7d: {  	[tilespmem:s22+$0xFFFFFFF0] =	vst v3  }
0x7e: {  	s6 =	sshra.s32 s6, $0x2;
	[tilespmem:s22+$0x10] =	vst v2;
	s22 =	smov.u32 s20  }
0x7f: {  	v2 =	vld [tilespmem:s6+$0x6000];
	_ =	sdelay $0x3  }
.Ltmp2:
0x80: {  	(pc) =	sbr.rel @p0 .LBB2_7-.Ltmp2, $4  }
0x81: {  	v3 =	vand.u32 $0xFFFF0000, v2;
	v2 =	vshll.u32 v2, $0x10  }
0x82: {  	[tilespmem:s20+$0xFFFFFFE0] =	vst v3  }
0x83: {  	[tilespmem:s20+$0x0] =	vst v2  }
0x84: {  	v2 =	vld [tilespmem:s6+$0x6010]  }
0x85: {  	_ =	sdelay $0x3  }
0x86: {  	v3 =	vand.u32 $0xFFFF0000, v2  }
0x87: {  	v2 =	vshll.u32 v2, $0x10;
	[tilespmem:s22+$0xFFFFFFF0] =	vst v3  }
0x88: {  	[tilespmem:s22+$0x10] =	vst v2  }
0x89: {  	[spmem:s2] =	stream.indirect.scatter.add.f32 [tilespmem:s26], [sflag:$0x7], $0x40, s14, s17, $0x2000b8;
	[tilespmem:$0x17800] =	vst v63  }
0x8a: {  	s5 =	smin.u32 s3, $0x4A;
	_ =	swait.ge [sflag:s13], $0x2000  }
0x8b: {  	s5 =	sshll.u32 s5, $0x7;
	[sflag:s13] =	ssyncset.done $0x0  }
0x8c: {  	s5 =	sadd.s32 $0x280, s5;
	[sflag:s13] =	ssyncadd.s32 $0xFFFFE000  }
0x8d: {  	[tilespmem:s19], [sflag:$0x4] =	stream.indirect.gather [hbm4b:s4+s17], $0x20, s5, s17, $0x2000b8;
	[tilespmem:$0x17800] =	vst v63  }
0x8e: {  	_ =	swait.ge [sflag:s29], $0x1000  }
0x8f: {  	[sflag:s29] =	ssyncset.done $0x0  }
0x90: {  	[sflag:s29] =	ssyncadd.s32 $0xFFFFF000  }
0x91: {  	v2 =	vld [tilespmem:s1+$0x2900];
	_ =	sdelay $0x7  }
0x92: {  	[tilespmem:v2+s25+$0x0] =	vst.idx.add.f32.msk $0xffff, v1  }
0x93: {  	v2 =	vld [tilespmem:s1+$0x2910];
	_ =	sdelay $0x7  }
0x94: {  	[tilespmem:v2+s25+$0x0] =	vst.idx.add.f32.msk $0xffff, v1  }
0x95: {  	v2 =	vld [tilespmem:s1+$0x2920];
	_ =	sdelay $0x7  }
0x96: {  	[tilespmem:v2+s25+$0x0] =	vst.idx.add.f32.msk $0xffff, v1  }
0x97: {  	v2 =	vld [tilespmem:s1+$0x2930];
	_ =	sdelay $0x7  }
0x98: {  	[tilespmem:v2+s25+$0x0] =	vst.idx.add.f32.msk $0xffff, v1  }
0x99: {  	v2 =	vld [tilespmem:s1+$0x2940];
	_ =	sdelay $0x7  }
0x9a: {  	[tilespmem:v2+s25+$0x0] =	vst.idx.add.f32.msk $0xffff, v1  }
0x9b: {  	v2 =	vld [tilespmem:s1+$0x2950];
	_ =	sdelay $0x7  }
0x9c: {  	[tilespmem:v2+s25+$0x0] =	vst.idx.add.f32.msk $0xffff, v1  }
0x9d: {  	v2 =	vld [tilespmem:s1+$0x2960];
	_ =	sdelay $0x7  }
0x9e: {  	[tilespmem:v2+s25+$0x0] =	vst.idx.add.f32.msk $0xffff, v1  }
0x9f: {  	v2 =	vld [tilespmem:s1+$0x2970];
	_ =	sdelay $0x7  }
0xa0: {  	s6 =	simm.s32 $0x0;
	[tilespmem:v2+s25+$0x0] =	vst.idx.add.f32.msk $0xffff, v1  }
0xa1: {  	v2 =	vld [tilespmem:s6+$0x7000];
	_ =	sdelay $0x4  }
0xa2: {  	s20 =	simm.s32 $0x9020;
	v3 =	vand.u32 $0xFFFF0000, v2  }
0xa3: {  	v2 =	vshll.u32 v2, $0x10;
	[tilespmem:s20+$0xFFFFFFE0] =	vst v3  }
0xa4: {  	[tilespmem:s20+$0x0] =	vst v2  }
0xa5: {  	s22 =	simm.s32 $0x9020;
	s14 =	sadd.s32 $0x2900, s1;
	s5 =	simm.s32 $0x80;
	v2 =	vld [tilespmem:s6+$0x7010]  }
.LBB2_9:
0xa6: {  	_ =	sdelay $0x2  }
0xa7: {  	p0 =	sne.s32 s5, $0x3F80  }
0xa8: {  	s20 =	sadd.s32 $0x40, s20;
	s6 =	smov.u32 s5;
	s5 =	sadd.s32 $0x80, s5;
	v3 =	vand.u32 $0xFFFF0000, v2;
	v2 =	vshll.u32 v2, $0x10  }
0xa9: {  	[tilespmem:s22+$0xFFFFFFF0] =	vst v3  }
0xaa: {  	s6 =	sshra.s32 s6, $0x2;
	[tilespmem:s22+$0x10] =	vst v2;
	s22 =	smov.u32 s20  }
0xab: {  	v2 =	vld [tilespmem:s6+$0x7000];
	_ =	sdelay $0x3  }
.Ltmp3:
0xac: {  	(pc) =	sbr.rel @p0 .LBB2_9-.Ltmp3, $4  }
0xad: {  	v3 =	vand.u32 $0xFFFF0000, v2;
	v2 =	vshll.u32 v2, $0x10  }
0xae: {  	[tilespmem:s20+$0xFFFFFFE0] =	vst v3  }
0xaf: {  	[tilespmem:s20+$0x0] =	vst v2  }
0xb0: {  	v2 =	vld [tilespmem:s6+$0x7010]  }
0xb1: {  	_ =	sdelay $0x3  }
0xb2: {  	v3 =	vand.u32 $0xFFFF0000, v2  }
0xb3: {  	v2 =	vshll.u32 v2, $0x10;
	[tilespmem:s22+$0xFFFFFFF0] =	vst v3  }
0xb4: {  	[tilespmem:s22+$0x10] =	vst v2  }
0xb5: {  	[spmem:s2] =	stream.indirect.scatter.add.f32 [tilespmem:s26], [sflag:$0x7], $0x40, s14, s17, $0x2000b8;
	[tilespmem:$0x17800] =	vst v63  }
0xb6: {  	s5 =	smin.u32 s3, $0x49;
	_ =	swait.ge [sflag:s13], $0x2000  }
0xb7: {  	s5 =	sshll.u32 s5, $0x7;
	[sflag:s13] =	ssyncset.done $0x0  }
0xb8: {  	s5 =	sadd.s32 $0x300, s5;
	[sflag:s13] =	ssyncadd.s32 $0xFFFFE000  }
0xb9: {  	[tilespmem:s21], [sflag:$0x5] =	stream.indirect.gather [hbm4b:s4+s17], $0x20, s5, s17, $0x2000b8;
	[tilespmem:$0x17800] =	vst v63  }
0xba: {  	_ =	swait.ge [sflag:s30], $0x1000  }
0xbb: {  	[sflag:s30] =	ssyncset.done $0x0  }
0xbc: {  	[sflag:s30] =	ssyncadd.s32 $0xFFFFF000  }
0xbd: {  	v2 =	vld [tilespmem:s1+$0x2980];
	_ =	sdelay $0x7  }
0xbe: {  	[tilespmem:v2+s25+$0x0] =	vst.idx.add.f32.msk $0xffff, v1  }
0xbf: {  	v2 =	vld [tilespmem:s1+$0x2990];
	_ =	sdelay $0x7  }
0xc0: {  	[tilespmem:v2+s25+$0x0] =	vst.idx.add.f32.msk $0xffff, v1  }
0xc1: {  	v2 =	vld [tilespmem:s1+$0x29A0];
	_ =	sdelay $0x7  }
0xc2: {  	[tilespmem:v2+s25+$0x0] =	vst.idx.add.f32.msk $0xffff, v1  }
0xc3: {  	v2 =	vld [tilespmem:s1+$0x29B0];
	_ =	sdelay $0x7  }
0xc4: {  	[tilespmem:v2+s25+$0x0] =	vst.idx.add.f32.msk $0xffff, v1  }
0xc5: {  	v2 =	vld [tilespmem:s1+$0x29C0];
	_ =	sdelay $0x7  }
0xc6: {  	[tilespmem:v2+s25+$0x0] =	vst.idx.add.f32.msk $0xffff, v1  }
0xc7: {  	v2 =	vld [tilespmem:s1+$0x29D0];
	_ =	sdelay $0x7  }
0xc8: {  	[tilespmem:v2+s25+$0x0] =	vst.idx.add.f32.msk $0xffff, v1  }
0xc9: {  	v2 =	vld [tilespmem:s1+$0x29E0];
	_ =	sdelay $0x7  }
0xca: {  	[tilespmem:v2+s25+$0x0] =	vst.idx.add.f32.msk $0xffff, v1  }
0xcb: {  	v2 =	vld [tilespmem:s1+$0x29F0];
	_ =	sdelay $0x7  }
0xcc: {  	s6 =	simm.s32 $0x0;
	[tilespmem:v2+s25+$0x0] =	vst.idx.add.f32.msk $0xffff, v1  }
0xcd: {  	v2 =	vld [tilespmem:s6+$0x8000];
	_ =	sdelay $0x4  }
0xce: {  	s14 =	simm.s32 $0x9020;
	v3 =	vand.u32 $0xFFFF0000, v2  }
0xcf: {  	v2 =	vshll.u32 v2, $0x10;
	[tilespmem:s14+$0xFFFFFFE0] =	vst v3  }
0xd0: {  	[tilespmem:s14+$0x0] =	vst v2  }
0xd1: {  	s20 =	simm.s32 $0x9020;
	s5 =	simm.s32 $0x80;
	s1 =	sadd.s32 $0x2980, s1;
	v2 =	vld [tilespmem:s6+$0x8010]  }
.LBB2_11:
0xd2: {  	_ =	sdelay $0x2  }
0xd3: {  	p0 =	sne.s32 s5, $0x3F80  }
0xd4: {  	s14 =	sadd.s32 $0x40, s14;
	s6 =	smov.u32 s5;
	s5 =	sadd.s32 $0x80, s5;
	v3 =	vand.u32 $0xFFFF0000, v2;
	v2 =	vshll.u32 v2, $0x10  }
0xd5: {  	[tilespmem:s20+$0xFFFFFFF0] =	vst v3  }
0xd6: {  	s6 =	sshra.s32 s6, $0x2;
	[tilespmem:s20+$0x10] =	vst v2;
	s20 =	smov.u32 s14  }
0xd7: {  	v2 =	vld [tilespmem:s6+$0x8000];
	_ =	sdelay $0x3  }
.Ltmp4:
0xd8: {  	(pc) =	sbr.rel @p0 .LBB2_11-.Ltmp4, $4  }
0xd9: {  	v3 =	vand.u32 $0xFFFF0000, v2;
	v2 =	vshll.u32 v2, $0x10  }
0xda: {  	[tilespmem:s14+$0xFFFFFFE0] =	vst v3  }
0xdb: {  	[tilespmem:s14+$0x0] =	vst v2  }
0xdc: {  	v2 =	vld [tilespmem:s6+$0x8010]  }
0xdd: {  	_ =	sdelay $0x3  }
0xde: {  	v3 =	vand.u32 $0xFFFF0000, v2  }
0xdf: {  	s0 =	sadd.s32 $0x1, s0;
	v2 =	vshll.u32 v2, $0x10;
	[tilespmem:s20+$0xFFFFFFF0] =	vst v3  }
0xe0: {  	p0 =	sne.s32 s0, $0x14;
	[tilespmem:s20+$0x10] =	vst v2  }
0xe1: {  	[spmem:s2] =	stream.indirect.scatter.add.f32 [tilespmem:s26], [sflag:$0x7], $0x40, s1, s17, $0x2000b8;
	[tilespmem:$0x17800] =	vst v63  }
.Ltmp5:
0xe2: {  	_ = 	snop;
	(pc) =	sbr.rel @p0 .LBB2_4-.Ltmp5, $4  }
0xe3: {  	s22 =	smin.u32 s3, $0x48;
	_ =	swait.ge [sflag:s13], $0x2000  }
0xe4: {  	s1 =	sshll.u32 s22, $0x7;
	[sflag:s13] =	ssyncset.done $0x0  }
0xe5: {  	s1 =	sadd.s32 $0x380, s1;
	[sflag:s13] =	ssyncadd.s32 $0xFFFFE000  }
0xe6: {  	[tilespmem:s23], [sflag:$0x6] =	stream.indirect.gather [hbm4b:s4+s17], $0x20, s1, s17, $0x2000b8;
	[tilespmem:$0x17800] =	vst v63  }
0xe7: {  	_ =	strace $0x9000004B  }
0xe8: {  	_ =	strace $0x8000004C  }
0xe9: {  	_ =	swait.ge [sflag:s24], $0x1000  }
0xea: {  	[sflag:s24] =	ssyncset.done $0x0  }
0xeb: {  	[sflag:s24] =	ssyncadd.s32 $0xFFFFF000  }
0xec: {  	_ =	swait.ge [sflag:s28], $0x1000  }
0xed: {  	[sflag:s28] =	ssyncset.done $0x0  }
0xee: {  	[sflag:s28] =	ssyncadd.s32 $0xFFFFF000  }
0xef: {  	_ =	swait.ge [sflag:s29], $0x1000  }
0xf0: {  	[sflag:s29] =	ssyncset.done $0x0  }
0xf1: {  	[sflag:s29] =	ssyncadd.s32 $0xFFFFF000  }
0xf2: {  	_ =	swait.ge [sflag:s30], $0x1000  }
0xf3: {  	[sflag:s30] =	ssyncset.done $0x0  }
0xf4: {  	s0 =	simm.s32 $0x0;
	[sflag:s30] =	ssyncadd.s32 $0xFFFFF000  }
0xf5: {  	[hbm4b:s8+s0] =	stream.linear.scatter [tilespmem:s25], [sflag:$0x7], $0x2800, $0x200038;
	[tilespmem:$0x17800] =	vst v63  }
0xf6: {  	_ =	swait.ge [sflag:s13], $0x2800  }
0xf7: {  	[sflag:s13] =	ssyncset.done $0x0  }
0xf8: {  	[sflag:s13] =	ssyncadd.s32 $0xFFFFD800  }
0xf9: {  	_ =	strace $0x9000004C  }
0xfa: {  	_ =	strace $0x8000004D  }
0xfb: {  	[bflag:$0x0] =	sbarrier.arrive $0xFFFF  }
0xfc: {  	s31 =	sadd.s32 $0x1, s31;
	_ =	strace $0x9000004D  }
0xfd: {  	p0 =	sne.s32 s31, s10;
	_ =	strace $0x8000004E  }
0xfe: {  	[hbm:s9], [sflag:s11] =	dma.local [spmem:s12], $0x1400  }
.Ltmp6:
0xff: {  	_ = 	snop;
	(pc) =	sbr.rel @p0 .LBB2_1-.Ltmp6, $4  }
0x100: {  	_ =	swait.ge [sflag:s13], $0x1400  }
0x101: {  	[sflag:s13] =	ssyncset.done $0x0  }
0x102: {  	[sflag:s13] =	ssyncadd.s32 $0xFFFFEC00  }
0x103: {  	_ =	strace $0x9000004E  }
0x104: {  	_ =	sfence.sel $0x180000  }
0x105: {  	[bflag:$0x0] =	sbarrier.arrive $0xFFFF  }
0x106: {  	_ =	strace $0x90000047  }
0x107: {  	s0 =	stileid.u32;
	[bflag:$0x2] =	sbarrier.arrive $0xFFFF  }
0x108: {  	p0 =	sne.s32 s0, $0x0;
	s0 =	rddreg [dreg:$0x2]  }
0x109: {  	s0 =	sadd.s32 @!p0 $0x100000, s0  }
0x10a: {  	[sflag:s0] =	ssyncadd.tile.s32 @!p0 $0x1;
	_ =	shalt  }
.Lfunc_end2:
_tile_overlayer_lowered:
.L_overlay_start_2:
0x10b: {  	(tag) =	ssettag $0x2  }
0x10c: {  	s0 =	rddreg [dreg:$0x0];
	s2 =	stileid.u32  }
0x10d: {  	s1 =	rddreg [dreg:$0x1];
	p0 =	sne.s32 s2, $0x0  }
0x10e: {  	s3 =	rddreg [dreg:$0x2];
	[bflag:$0x3] =	sbarrier.arrive $0xFFFF;
	s2 =	simm.s32 @!p0 $0x1C07  }
0x10f: {  	[timem:s3], [sflag:s2] =	dma.local @!p0 [hbm:s0], s1  }
0x110: {  	s0 =	simm.s32 @!p0 $0x7  }
0x111: {  	_ =	swait.ge @!p0 [sflag:s0], s1  }
0x112: {  	s1 =	ssub.s32 @!p0 $0x0, s1;
	[sflag:s0] =	ssyncset.done @!p0 $0x0  }
0x113: {  	[sflag:s0] =	ssyncadd.s32 @!p0 s1  }
0x114: {  	[bflag:$0x3] =	sbarrier.arrive $0xFFFF  }
0x115: {  	_ =	shalt  }

</sc_bundles>
